<compile_context>
chip_gen: v7x
topology: tpu7x:2x2x1
jax: 0.10.2.dev20260603
libtpu: 0.0.44.dev20260713+nightly
codegen_flags: <defaults>
</compile_context>

<pallas_src>
import functools

import jax
import jax.numpy as jnp
from jax import lax
from jax.experimental import pallas as pl
from jax.experimental.pallas import tpu as pltpu
from jax.experimental.pallas import tpu_sc as plsc

SEQ_LEN = 16384
E_DIMS = 256
NUM_WORKERS = 32
B_PER_W = SEQ_LEN // NUM_WORKERS
CHUNK = 64
NCHUNK = B_PER_W // CHUNK
NBUF = 6


def _gather_kernel(x_hbm, tbl_hbm, out_hbm, idx_v, *bufs_and_sems):
    rows = bufs_and_sems[:NBUF]
    gsem = bufs_and_sems[NBUF:2 * NBUF]
    ssem = bufs_and_sems[2 * NBUF:3 * NBUF]
    wid = lax.axis_index("s") * 2 + lax.axis_index("c")
    base = wid * B_PER_W
    pltpu.sync_copy(x_hbm.at[wid], idx_v)
    gathers = [None] * NCHUNK
    stores = [None] * NCHUNK
    for j in range(min(NBUF, NCHUNK)):
        gathers[j] = pltpu.async_copy(
            tbl_hbm.at[idx_v.at[j]], rows[j % NBUF], gsem[j % NBUF])
    for j in range(NCHUNK):
        b = j % NBUF
        gathers[j].wait()
        stores[j] = pltpu.async_copy(
            rows[b], out_hbm.at[pl.ds(base + j * CHUNK, CHUNK)], ssem[b])
        if j + NBUF < NCHUNK:
            stores[j].wait()
            gathers[j + NBUF] = pltpu.async_copy(
                tbl_hbm.at[idx_v.at[j + NBUF]], rows[b], gsem[b])
    for j in range(max(0, NCHUNK - NBUF), NCHUNK):
        stores[j].wait()


def kernel(x, E_class):
    x32 = x.astype(jnp.int32).reshape(NUM_WORKERS, NCHUNK, CHUNK)
    mesh = plsc.VectorSubcoreMesh(core_axis_name="c", subcore_axis_name="s")
    scratch = [pltpu.VMEM((NCHUNK, CHUNK), jnp.int32)]
    scratch += [pltpu.VMEM((CHUNK, E_DIMS), jnp.float32) for _ in range(NBUF)]
    scratch += [pltpu.SemaphoreType.DMA for _ in range(2 * NBUF)]
    k = functools.partial(
        pl.kernel,
        mesh=mesh,
        out_type=jax.ShapeDtypeStruct((SEQ_LEN, E_DIMS), jnp.float32),
        scratch_types=scratch,
    )(_gather_kernel)
    return k(x32, E_class)

# --- scband reference (transcript-rebuilt; emitter-appended) ---
"""Pipeline reference for scband-position-encoding-61856118997301 (READ-ONLY COPY).

The authoritative reference and input builder live on the scoring server;
editing this copy changes nothing except your own understanding.
"""

import jax, jax.numpy as jnp
import numpy as np

CLASS_NUM = 100000
SEQ_LEN = 16384
E_DIMS = 256

def setup_inputs(seed: int = 0) -> dict:
    key = jax.random.key(seed)
    k1, k2 = jax.random.split(key)
    x = jax.random.randint(k1, (SEQ_LEN,), 0, CLASS_NUM, dtype=jnp.int64 if jax.config.jax_enable_x64 else jnp.int32)
    E_class = jax.random.normal(k2, (CLASS_NUM, E_DIMS), dtype=jnp.float32)
    return {"x": x, "E_class": E_class}

def reference(x, E_class):
    # Faithful to the module's intent: for each integer token in the input
    # sequence, look up its learned class embedding row from E_class and
    # place it at the corresponding sequence position.
    # sequence[idx] = E_class[token, :] for idx, token in enumerate(x)
    sequence = jnp.take(E_class, x, axis=0)
    return sequence

if __name__ == "__main__":
    import jax
    _d = setup_inputs()
    print(jax.jit(kernel)(*tuple(_d.values())))

</pallas_src>

<mosaic_0001>
#map = affine_map<(d0, d1) -> (0, 0, 0)>
#map1 = affine_map<(d0, d1) -> (0, 0)>
module attributes {stable_mosaic.version = 14 : i64} {
  func.func @_gather_kernel(%arg0: i32, %arg1: i32, %arg2: memref<32x8x64xi32, #tpu.memory_space<hbm>>, %arg3: memref<100000x256xf32, #tpu.memory_space<hbm>>, %arg4: memref<16384x256xf32, #tpu.memory_space<hbm>>, %arg5: memref<8x64xi32, #tpu.memory_space<vmem>>, %arg6: memref<64x256xf32, #tpu.memory_space<vmem>>, %arg7: memref<64x256xf32, #tpu.memory_space<vmem>>, %arg8: memref<64x256xf32, #tpu.memory_space<vmem>>, %arg9: memref<64x256xf32, #tpu.memory_space<vmem>>, %arg10: memref<64x256xf32, #tpu.memory_space<vmem>>, %arg11: memref<64x256xf32, #tpu.memory_space<vmem>>, %arg12: memref<!tpu.dma_semaphore, #tpu.memory_space<semaphore_mem>>, %arg13: memref<!tpu.dma_semaphore, #tpu.memory_space<semaphore_mem>>, %arg14: memref<!tpu.dma_semaphore, #tpu.memory_space<semaphore_mem>>, %arg15: memref<!tpu.dma_semaphore, #tpu.memory_space<semaphore_mem>>, %arg16: memref<!tpu.dma_semaphore, #tpu.memory_space<semaphore_mem>>, %arg17: memref<!tpu.dma_semaphore, #tpu.memory_space<semaphore_mem>>, %arg18: memref<!tpu.dma_semaphore, #tpu.memory_space<semaphore_mem>>, %arg19: memref<!tpu.dma_semaphore, #tpu.memory_space<semaphore_mem>>, %arg20: memref<!tpu.dma_semaphore, #tpu.memory_space<semaphore_mem>>, %arg21: memref<!tpu.dma_semaphore, #tpu.memory_space<semaphore_mem>>, %arg22: memref<!tpu.dma_semaphore, #tpu.memory_space<semaphore_mem>>, %arg23: memref<!tpu.dma_semaphore, #tpu.memory_space<semaphore_mem>>) attributes {dimension_semantics = [#tpu.dimension_semantics<core_parallel>, #tpu.dimension_semantics<subcore_parallel>], iteration_bounds = array<i64: 2, 16>, scalar_prefetch = 0 : i64, scratch_operands = 19 : i64, tpu.core_type = #tpu.core_type<sc_vector_subcore>, window_params = [{transform_indices = #map}, {transform_indices = #map1}, {transform_indices = #map1}]} {
    %mul3A = arith.constant 2 : i32
    %mul3A_0 = arith.muli %arg1, %mul3A : i32
    %add3A = arith.addi %mul3A_0, %arg0 : i32
    %mul3A_1 = arith.constant 512 : i32
    %mul3A_2 = arith.muli %add3A, %mul3A_1 : i32
    "tpu.region"() ({
      %run_scoped3A = tpu.sem_alloc : memref<!tpu.dma_semaphore, #tpu.memory_space<semaphore_mem>>
      %dma_start3A_193 = arith.constant 0 : i32
      %dma_start3A_194 = arith.constant 0 : i32
      %dma_start3A_195 = tpu.memref_slice %arg2[%add3A, %dma_start3A_193, %dma_start3A_194] : memref<32x8x64xi32, #tpu.memory_space<hbm>> -> memref<1x8x64xi32, #tpu.memory_space<hbm>>
      %dma_start3A_196 = tpu.memref_squeeze %dma_start3A_195 : memref<1x8x64xi32, #tpu.memory_space<hbm>> -> memref<8x64xi32, #tpu.memory_space<hbm>>
      %dma_start3A_197 = arith.constant 0 : i32
      %dma_start3A_198 = arith.constant 0 : i32
      %dma_start3A_199 = tpu.memref_slice %arg2[%add3A, %dma_start3A_197, %dma_start3A_198] : memref<32x8x64xi32, #tpu.memory_space<hbm>> -> memref<1x8x64xi32, #tpu.memory_space<hbm>>
      %dma_start3A_200 = tpu.memref_squeeze %dma_start3A_199 : memref<1x8x64xi32, #tpu.memory_space<hbm>> -> memref<8x64xi32, #tpu.memory_space<hbm>>
      tpu.enqueue_dma source(%dma_start3A_200 : memref<8x64xi32, #tpu.memory_space<hbm>>) target(%arg5 : memref<8x64xi32, #tpu.memory_space<vmem>>) target_semaphore(%run_scoped3A : memref<!tpu.dma_semaphore, #tpu.memory_space<semaphore_mem>>)
      %dma_wait3A_201 = arith.constant 0 : i32
      %dma_wait3A_202 = arith.constant 0 : i32
      %dma_wait3A_203 = tpu.memref_slice %arg2[%add3A, %dma_wait3A_201, %dma_wait3A_202] : memref<32x8x64xi32, #tpu.memory_space<hbm>> -> memref<1x8x64xi32, #tpu.memory_space<hbm>>
      %dma_wait3A_204 = tpu.memref_squeeze %dma_wait3A_203 : memref<1x8x64xi32, #tpu.memory_space<hbm>> -> memref<8x64xi32, #tpu.memory_space<hbm>>
      %dma_wait3A_205 = arith.constant 0 : i32
      %dma_wait3A_206 = arith.constant 0 : i32
      %dma_wait3A_207 = tpu.memref_slice %arg2[%add3A, %dma_wait3A_205, %dma_wait3A_206] : memref<32x8x64xi32, #tpu.memory_space<hbm>> -> memref<1x8x64xi32, #tpu.memory_space<hbm>>
      %dma_wait3A_208 = tpu.memref_squeeze %dma_wait3A_207 : memref<1x8x64xi32, #tpu.memory_space<hbm>> -> memref<8x64xi32, #tpu.memory_space<hbm>>
      tpu.wait_dma2 semaphore(%run_scoped3A : memref<!tpu.dma_semaphore, #tpu.memory_space<semaphore_mem>>) src(%dma_wait3A_208 : memref<8x64xi32, #tpu.memory_space<hbm>>) dst(%arg5 : memref<8x64xi32, #tpu.memory_space<vmem>>)
      tpu.yield
    }) : () -> ()
    %dma_start3A = arith.constant 0 : i32
    %dma_start3A_3 = arith.constant 0 : i32
    %dma_start3A_4 = tpu.memref_slice %arg5[%dma_start3A, %dma_start3A_3] : memref<8x64xi32, #tpu.memory_space<vmem>> -> memref<1x64xi32, #tpu.memory_space<vmem>>
    %dma_start3A_5 = tpu.memref_squeeze %dma_start3A_4 : memref<1x64xi32, #tpu.memory_space<vmem>> -> memref<64xi32, #tpu.memory_space<vmem>>
    %dma_start3A_6 = arith.constant 0 : i32
    %dma_start3A_7 = arith.constant 0 : i32
    %dma_start3A_8 = tpu.memref_slice %arg3[%dma_start3A_6, %dma_start3A_7] : memref<100000x256xf32, #tpu.memory_space<hbm>> -> memref<100000x256xf32, #tpu.memory_space<hbm>>
    tpu.enqueue_indirect_dma source(%dma_start3A_8 : memref<100000x256xf32, #tpu.memory_space<hbm>>) target(%arg6 : memref<64x256xf32, #tpu.memory_space<vmem>>) offsets(%dma_start3A_5 : memref<64xi32, #tpu.memory_space<vmem>>) semaphore(%arg12 : memref<!tpu.dma_semaphore, #tpu.memory_space<semaphore_mem>>)
    %dma_start3A_9 = arith.constant 1 : i32
    %dma_start3A_10 = arith.constant 0 : i32
    %dma_start3A_11 = tpu.memref_slice %arg5[%dma_start3A_9, %dma_start3A_10] : memref<8x64xi32, #tpu.memory_space<vmem>> -> memref<1x64xi32, #tpu.memory_space<vmem>>
    %dma_start3A_12 = tpu.memref_squeeze %dma_start3A_11 : memref<1x64xi32, #tpu.memory_space<vmem>> -> memref<64xi32, #tpu.memory_space<vmem>>
    %dma_start3A_13 = arith.constant 0 : i32
    %dma_start3A_14 = arith.constant 0 : i32
    %dma_start3A_15 = tpu.memref_slice %arg3[%dma_start3A_13, %dma_start3A_14] : memref<100000x256xf32, #tpu.memory_space<hbm>> -> memref<100000x256xf32, #tpu.memory_space<hbm>>
    tpu.enqueue_indirect_dma source(%dma_start3A_15 : memref<100000x256xf32, #tpu.memory_space<hbm>>) target(%arg7 : memref<64x256xf32, #tpu.memory_space<vmem>>) offsets(%dma_start3A_12 : memref<64xi32, #tpu.memory_space<vmem>>) semaphore(%arg13 : memref<!tpu.dma_semaphore, #tpu.memory_space<semaphore_mem>>)
    %dma_start3A_16 = arith.constant 2 : i32
    %dma_start3A_17 = arith.constant 0 : i32
    %dma_start3A_18 = tpu.memref_slice %arg5[%dma_start3A_16, %dma_start3A_17] : memref<8x64xi32, #tpu.memory_space<vmem>> -> memref<1x64xi32, #tpu.memory_space<vmem>>
    %dma_start3A_19 = tpu.memref_squeeze %dma_start3A_18 : memref<1x64xi32, #tpu.memory_space<vmem>> -> memref<64xi32, #tpu.memory_space<vmem>>
    %dma_start3A_20 = arith.constant 0 : i32
    %dma_start3A_21 = arith.constant 0 : i32
    %dma_start3A_22 = tpu.memref_slice %arg3[%dma_start3A_20, %dma_start3A_21] : memref<100000x256xf32, #tpu.memory_space<hbm>> -> memref<100000x256xf32, #tpu.memory_space<hbm>>
    tpu.enqueue_indirect_dma source(%dma_start3A_22 : memref<100000x256xf32, #tpu.memory_space<hbm>>) target(%arg8 : memref<64x256xf32, #tpu.memory_space<vmem>>) offsets(%dma_start3A_19 : memref<64xi32, #tpu.memory_space<vmem>>) semaphore(%arg14 : memref<!tpu.dma_semaphore, #tpu.memory_space<semaphore_mem>>)
    %dma_start3A_23 = arith.constant 3 : i32
    %dma_start3A_24 = arith.constant 0 : i32
    %dma_start3A_25 = tpu.memref_slice %arg5[%dma_start3A_23, %dma_start3A_24] : memref<8x64xi32, #tpu.memory_space<vmem>> -> memref<1x64xi32, #tpu.memory_space<vmem>>
    %dma_start3A_26 = tpu.memref_squeeze %dma_start3A_25 : memref<1x64xi32, #tpu.memory_space<vmem>> -> memref<64xi32, #tpu.memory_space<vmem>>
    %dma_start3A_27 = arith.constant 0 : i32
    %dma_start3A_28 = arith.constant 0 : i32
    %dma_start3A_29 = tpu.memref_slice %arg3[%dma_start3A_27, %dma_start3A_28] : memref<100000x256xf32, #tpu.memory_space<hbm>> -> memref<100000x256xf32, #tpu.memory_space<hbm>>
    tpu.enqueue_indirect_dma source(%dma_start3A_29 : memref<100000x256xf32, #tpu.memory_space<hbm>>) target(%arg9 : memref<64x256xf32, #tpu.memory_space<vmem>>) offsets(%dma_start3A_26 : memref<64xi32, #tpu.memory_space<vmem>>) semaphore(%arg15 : memref<!tpu.dma_semaphore, #tpu.memory_space<semaphore_mem>>)
    %dma_start3A_30 = arith.constant 4 : i32
    %dma_start3A_31 = arith.constant 0 : i32
    %dma_start3A_32 = tpu.memref_slice %arg5[%dma_start3A_30, %dma_start3A_31] : memref<8x64xi32, #tpu.memory_space<vmem>> -> memref<1x64xi32, #tpu.memory_space<vmem>>
    %dma_start3A_33 = tpu.memref_squeeze %dma_start3A_32 : memref<1x64xi32, #tpu.memory_space<vmem>> -> memref<64xi32, #tpu.memory_space<vmem>>
    %dma_start3A_34 = arith.constant 0 : i32
    %dma_start3A_35 = arith.constant 0 : i32
    %dma_start3A_36 = tpu.memref_slice %arg3[%dma_start3A_34, %dma_start3A_35] : memref<100000x256xf32, #tpu.memory_space<hbm>> -> memref<100000x256xf32, #tpu.memory_space<hbm>>
    tpu.enqueue_indirect_dma source(%dma_start3A_36 : memref<100000x256xf32, #tpu.memory_space<hbm>>) target(%arg10 : memref<64x256xf32, #tpu.memory_space<vmem>>) offsets(%dma_start3A_33 : memref<64xi32, #tpu.memory_space<vmem>>) semaphore(%arg16 : memref<!tpu.dma_semaphore, #tpu.memory_space<semaphore_mem>>)
    %dma_start3A_37 = arith.constant 5 : i32
    %dma_start3A_38 = arith.constant 0 : i32
    %dma_start3A_39 = tpu.memref_slice %arg5[%dma_start3A_37, %dma_start3A_38] : memref<8x64xi32, #tpu.memory_space<vmem>> -> memref<1x64xi32, #tpu.memory_space<vmem>>
    %dma_start3A_40 = tpu.memref_squeeze %dma_start3A_39 : memref<1x64xi32, #tpu.memory_space<vmem>> -> memref<64xi32, #tpu.memory_space<vmem>>
    %dma_start3A_41 = arith.constant 0 : i32
    %dma_start3A_42 = arith.constant 0 : i32
    %dma_start3A_43 = tpu.memref_slice %arg3[%dma_start3A_41, %dma_start3A_42] : memref<100000x256xf32, #tpu.memory_space<hbm>> -> memref<100000x256xf32, #tpu.memory_space<hbm>>
    tpu.enqueue_indirect_dma source(%dma_start3A_43 : memref<100000x256xf32, #tpu.memory_space<hbm>>) target(%arg11 : memref<64x256xf32, #tpu.memory_space<vmem>>) offsets(%dma_start3A_40 : memref<64xi32, #tpu.memory_space<vmem>>) semaphore(%arg17 : memref<!tpu.dma_semaphore, #tpu.memory_space<semaphore_mem>>)
    %dma_wait3A = arith.constant 0 : i32
    %dma_wait3A_44 = arith.constant 0 : i32
    %dma_wait3A_45 = tpu.memref_slice %arg5[%dma_wait3A, %dma_wait3A_44] : memref<8x64xi32, #tpu.memory_space<vmem>> -> memref<1x64xi32, #tpu.memory_space<vmem>>
    %dma_wait3A_46 = tpu.memref_squeeze %dma_wait3A_45 : memref<1x64xi32, #tpu.memory_space<vmem>> -> memref<64xi32, #tpu.memory_space<vmem>>
    %dma_wait3A_47 = arith.constant 0 : i32
    %dma_wait3A_48 = arith.constant 0 : i32
    %dma_wait3A_49 = tpu.memref_slice %arg3[%dma_wait3A_47, %dma_wait3A_48] : memref<100000x256xf32, #tpu.memory_space<hbm>> -> memref<100000x256xf32, #tpu.memory_space<hbm>>
    tpu.wait_indirect_dma semaphore(%arg12 : memref<!tpu.dma_semaphore, #tpu.memory_space<semaphore_mem>>) src(%dma_wait3A_49 : memref<100000x256xf32, #tpu.memory_space<hbm>>) dst(%arg6 : memref<64x256xf32, #tpu.memory_space<vmem>>)
    %add3A_50 = arith.constant 0 : i32
    %add3A_51 = arith.addi %mul3A_2, %add3A_50 : i32
    %dma_start3A_52 = arith.constant 0 : i32
    %dma_start3A_53 = tpu.memref_slice %arg4[%add3A_51, %dma_start3A_52] : memref<16384x256xf32, #tpu.memory_space<hbm>> -> memref<64x256xf32, #tpu.memory_space<hbm>>
    %dma_start3A_54 = arith.constant 0 : i32
    %dma_start3A_55 = tpu.memref_slice %arg4[%add3A_51, %dma_start3A_54] : memref<16384x256xf32, #tpu.memory_space<hbm>> -> memref<64x256xf32, #tpu.memory_space<hbm>>
    tpu.enqueue_dma source(%arg6 : memref<64x256xf32, #tpu.memory_space<vmem>>) target(%dma_start3A_55 : memref<64x256xf32, #tpu.memory_space<hbm>>) target_semaphore(%arg18 : memref<!tpu.dma_semaphore, #tpu.memory_space<semaphore_mem>>)
    %dma_wait3A_56 = arith.constant 0 : i32
    %dma_wait3A_57 = tpu.memref_slice %arg4[%add3A_51, %dma_wait3A_56] : memref<16384x256xf32, #tpu.memory_space<hbm>> -> memref<64x256xf32, #tpu.memory_space<hbm>>
    %dma_wait3A_58 = arith.constant 0 : i32
    %dma_wait3A_59 = tpu.memref_slice %arg4[%add3A_51, %dma_wait3A_58] : memref<16384x256xf32, #tpu.memory_space<hbm>> -> memref<64x256xf32, #tpu.memory_space<hbm>>
    tpu.wait_dma2 semaphore(%arg18 : memref<!tpu.dma_semaphore, #tpu.memory_space<semaphore_mem>>) src(%arg6 : memref<64x256xf32, #tpu.memory_space<vmem>>) dst(%dma_wait3A_59 : memref<64x256xf32, #tpu.memory_space<hbm>>)
    %dma_start3A_60 = arith.constant 6 : i32
    %dma_start3A_61 = arith.constant 0 : i32
    %dma_start3A_62 = tpu.memref_slice %arg5[%dma_start3A_60, %dma_start3A_61] : memref<8x64xi32, #tpu.memory_space<vmem>> -> memref<1x64xi32, #tpu.memory_space<vmem>>
    %dma_start3A_63 = tpu.memref_squeeze %dma_start3A_62 : memref<1x64xi32, #tpu.memory_space<vmem>> -> memref<64xi32, #tpu.memory_space<vmem>>
    %dma_start3A_64 = arith.constant 0 : i32
    %dma_start3A_65 = arith.constant 0 : i32
    %dma_start3A_66 = tpu.memref_slice %arg3[%dma_start3A_64, %dma_start3A_65] : memref<100000x256xf32, #tpu.memory_space<hbm>> -> memref<100000x256xf32, #tpu.memory_space<hbm>>
    tpu.enqueue_indirect_dma source(%dma_start3A_66 : memref<100000x256xf32, #tpu.memory_space<hbm>>) target(%arg6 : memref<64x256xf32, #tpu.memory_space<vmem>>) offsets(%dma_start3A_63 : memref<64xi32, #tpu.memory_space<vmem>>) semaphore(%arg12 : memref<!tpu.dma_semaphore, #tpu.memory_space<semaphore_mem>>)
    %dma_wait3A_67 = arith.constant 1 : i32
    %dma_wait3A_68 = arith.constant 0 : i32
    %dma_wait3A_69 = tpu.memref_slice %arg5[%dma_wait3A_67, %dma_wait3A_68] : memref<8x64xi32, #tpu.memory_space<vmem>> -> memref<1x64xi32, #tpu.memory_space<vmem>>
    %dma_wait3A_70 = tpu.memref_squeeze %dma_wait3A_69 : memref<1x64xi32, #tpu.memory_space<vmem>> -> memref<64xi32, #tpu.memory_space<vmem>>
    %dma_wait3A_71 = arith.constant 0 : i32
    %dma_wait3A_72 = arith.constant 0 : i32
    %dma_wait3A_73 = tpu.memref_slice %arg3[%dma_wait3A_71, %dma_wait3A_72] : memref<100000x256xf32, #tpu.memory_space<hbm>> -> memref<100000x256xf32, #tpu.memory_space<hbm>>
    tpu.wait_indirect_dma semaphore(%arg13 : memref<!tpu.dma_semaphore, #tpu.memory_space<semaphore_mem>>) src(%dma_wait3A_73 : memref<100000x256xf32, #tpu.memory_space<hbm>>) dst(%arg7 : memref<64x256xf32, #tpu.memory_space<vmem>>)
    %add3A_74 = arith.constant 64 : i32
    %add3A_75 = arith.addi %mul3A_2, %add3A_74 : i32
    %dma_start3A_76 = arith.constant 0 : i32
    %dma_start3A_77 = tpu.memref_slice %arg4[%add3A_75, %dma_start3A_76] : memref<16384x256xf32, #tpu.memory_space<hbm>> -> memref<64x256xf32, #tpu.memory_space<hbm>>
    %dma_start3A_78 = arith.constant 0 : i32
    %dma_start3A_79 = tpu.memref_slice %arg4[%add3A_75, %dma_start3A_78] : memref<16384x256xf32, #tpu.memory_space<hbm>> -> memref<64x256xf32, #tpu.memory_space<hbm>>
    tpu.enqueue_dma source(%arg7 : memref<64x256xf32, #tpu.memory_space<vmem>>) target(%dma_start3A_79 : memref<64x256xf32, #tpu.memory_space<hbm>>) target_semaphore(%arg19 : memref<!tpu.dma_semaphore, #tpu.memory_space<semaphore_mem>>)
    %dma_wait3A_80 = arith.constant 0 : i32
    %dma_wait3A_81 = tpu.memref_slice %arg4[%add3A_75, %dma_wait3A_80] : memref<16384x256xf32, #tpu.memory_space<hbm>> -> memref<64x256xf32, #tpu.memory_space<hbm>>
    %dma_wait3A_82 = arith.constant 0 : i32
    %dma_wait3A_83 = tpu.memref_slice %arg4[%add3A_75, %dma_wait3A_82] : memref<16384x256xf32, #tpu.memory_space<hbm>> -> memref<64x256xf32, #tpu.memory_space<hbm>>
    tpu.wait_dma2 semaphore(%arg19 : memref<!tpu.dma_semaphore, #tpu.memory_space<semaphore_mem>>) src(%arg7 : memref<64x256xf32, #tpu.memory_space<vmem>>) dst(%dma_wait3A_83 : memref<64x256xf32, #tpu.memory_space<hbm>>)
    %dma_start3A_84 = arith.constant 7 : i32
    %dma_start3A_85 = arith.constant 0 : i32
    %dma_start3A_86 = tpu.memref_slice %arg5[%dma_start3A_84, %dma_start3A_85] : memref<8x64xi32, #tpu.memory_space<vmem>> -> memref<1x64xi32, #tpu.memory_space<vmem>>
    %dma_start3A_87 = tpu.memref_squeeze %dma_start3A_86 : memref<1x64xi32, #tpu.memory_space<vmem>> -> memref<64xi32, #tpu.memory_space<vmem>>
    %dma_start3A_88 = arith.constant 0 : i32
    %dma_start3A_89 = arith.constant 0 : i32
    %dma_start3A_90 = tpu.memref_slice %arg3[%dma_start3A_88, %dma_start3A_89] : memref<100000x256xf32, #tpu.memory_space<hbm>> -> memref<100000x256xf32, #tpu.memory_space<hbm>>
    tpu.enqueue_indirect_dma source(%dma_start3A_90 : memref<100000x256xf32, #tpu.memory_space<hbm>>) target(%arg7 : memref<64x256xf32, #tpu.memory_space<vmem>>) offsets(%dma_start3A_87 : memref<64xi32, #tpu.memory_space<vmem>>) semaphore(%arg13 : memref<!tpu.dma_semaphore, #tpu.memory_space<semaphore_mem>>)
    %dma_wait3A_91 = arith.constant 2 : i32
    %dma_wait3A_92 = arith.constant 0 : i32
    %dma_wait3A_93 = tpu.memref_slice %arg5[%dma_wait3A_91, %dma_wait3A_92] : memref<8x64xi32, #tpu.memory_space<vmem>> -> memref<1x64xi32, #tpu.memory_space<vmem>>
    %dma_wait3A_94 = tpu.memref_squeeze %dma_wait3A_93 : memref<1x64xi32, #tpu.memory_space<vmem>> -> memref<64xi32, #tpu.memory_space<vmem>>
    %dma_wait3A_95 = arith.constant 0 : i32
    %dma_wait3A_96 = arith.constant 0 : i32
    %dma_wait3A_97 = tpu.memref_slice %arg3[%dma_wait3A_95, %dma_wait3A_96] : memref<100000x256xf32, #tpu.memory_space<hbm>> -> memref<100000x256xf32, #tpu.memory_space<hbm>>
    tpu.wait_indirect_dma semaphore(%arg14 : memref<!tpu.dma_semaphore, #tpu.memory_space<semaphore_mem>>) src(%dma_wait3A_97 : memref<100000x256xf32, #tpu.memory_space<hbm>>) dst(%arg8 : memref<64x256xf32, #tpu.memory_space<vmem>>)
    %add3A_98 = arith.constant 128 : i32
    %add3A_99 = arith.addi %mul3A_2, %add3A_98 : i32
    %dma_start3A_100 = arith.constant 0 : i32
    %dma_start3A_101 = tpu.memref_slice %arg4[%add3A_99, %dma_start3A_100] : memref<16384x256xf32, #tpu.memory_space<hbm>> -> memref<64x256xf32, #tpu.memory_space<hbm>>
    %dma_start3A_102 = arith.constant 0 : i32
    %dma_start3A_103 = tpu.memref_slice %arg4[%add3A_99, %dma_start3A_102] : memref<16384x256xf32, #tpu.memory_space<hbm>> -> memref<64x256xf32, #tpu.memory_space<hbm>>
    tpu.enqueue_dma source(%arg8 : memref<64x256xf32, #tpu.memory_space<vmem>>) target(%dma_start3A_103 : memref<64x256xf32, #tpu.memory_space<hbm>>) target_semaphore(%arg20 : memref<!tpu.dma_semaphore, #tpu.memory_space<semaphore_mem>>)
    %dma_wait3A_104 = arith.constant 3 : i32
    %dma_wait3A_105 = arith.constant 0 : i32
    %dma_wait3A_106 = tpu.memref_slice %arg5[%dma_wait3A_104, %dma_wait3A_105] : memref<8x64xi32, #tpu.memory_space<vmem>> -> memref<1x64xi32, #tpu.memory_space<vmem>>
    %dma_wait3A_107 = tpu.memref_squeeze %dma_wait3A_106 : memref<1x64xi32, #tpu.memory_space<vmem>> -> memref<64xi32, #tpu.memory_space<vmem>>
    %dma_wait3A_108 = arith.constant 0 : i32
    %dma_wait3A_109 = arith.constant 0 : i32
    %dma_wait3A_110 = tpu.memref_slice %arg3[%dma_wait3A_108, %dma_wait3A_109] : memref<100000x256xf32, #tpu.memory_space<hbm>> -> memref<100000x256xf32, #tpu.memory_space<hbm>>
    tpu.wait_indirect_dma semaphore(%arg15 : memref<!tpu.dma_semaphore, #tpu.memory_space<semaphore_mem>>) src(%dma_wait3A_110 : memref<100000x256xf32, #tpu.memory_space<hbm>>) dst(%arg9 : memref<64x256xf32, #tpu.memory_space<vmem>>)
    %add3A_111 = arith.constant 192 : i32
    %add3A_112 = arith.addi %mul3A_2, %add3A_111 : i32
    %dma_start3A_113 = arith.constant 0 : i32
    %dma_start3A_114 = tpu.memref_slice %arg4[%add3A_112, %dma_start3A_113] : memref<16384x256xf32, #tpu.memory_space<hbm>> -> memref<64x256xf32, #tpu.memory_space<hbm>>
    %dma_start3A_115 = arith.constant 0 : i32
    %dma_start3A_116 = tpu.memref_slice %arg4[%add3A_112, %dma_start3A_115] : memref<16384x256xf32, #tpu.memory_space<hbm>> -> memref<64x256xf32, #tpu.memory_space<hbm>>
    tpu.enqueue_dma source(%arg9 : memref<64x256xf32, #tpu.memory_space<vmem>>) target(%dma_start3A_116 : memref<64x256xf32, #tpu.memory_space<hbm>>) target_semaphore(%arg21 : memref<!tpu.dma_semaphore, #tpu.memory_space<semaphore_mem>>)
    %dma_wait3A_117 = arith.constant 4 : i32
    %dma_wait3A_118 = arith.constant 0 : i32
    %dma_wait3A_119 = tpu.memref_slice %arg5[%dma_wait3A_117, %dma_wait3A_118] : memref<8x64xi32, #tpu.memory_space<vmem>> -> memref<1x64xi32, #tpu.memory_space<vmem>>
    %dma_wait3A_120 = tpu.memref_squeeze %dma_wait3A_119 : memref<1x64xi32, #tpu.memory_space<vmem>> -> memref<64xi32, #tpu.memory_space<vmem>>
    %dma_wait3A_121 = arith.constant 0 : i32
    %dma_wait3A_122 = arith.constant 0 : i32
    %dma_wait3A_123 = tpu.memref_slice %arg3[%dma_wait3A_121, %dma_wait3A_122] : memref<100000x256xf32, #tpu.memory_space<hbm>> -> memref<100000x256xf32, #tpu.memory_space<hbm>>
    tpu.wait_indirect_dma semaphore(%arg16 : memref<!tpu.dma_semaphore, #tpu.memory_space<semaphore_mem>>) src(%dma_wait3A_123 : memref<100000x256xf32, #tpu.memory_space<hbm>>) dst(%arg10 : memref<64x256xf32, #tpu.memory_space<vmem>>)
    %add3A_124 = arith.constant 256 : i32
    %add3A_125 = arith.addi %mul3A_2, %add3A_124 : i32
    %dma_start3A_126 = arith.constant 0 : i32
    %dma_start3A_127 = tpu.memref_slice %arg4[%add3A_125, %dma_start3A_126] : memref<16384x256xf32, #tpu.memory_space<hbm>> -> memref<64x256xf32, #tpu.memory_space<hbm>>
    %dma_start3A_128 = arith.constant 0 : i32
    %dma_start3A_129 = tpu.memref_slice %arg4[%add3A_125, %dma_start3A_128] : memref<16384x256xf32, #tpu.memory_space<hbm>> -> memref<64x256xf32, #tpu.memory_space<hbm>>
    tpu.enqueue_dma source(%arg10 : memref<64x256xf32, #tpu.memory_space<vmem>>) target(%dma_start3A_129 : memref<64x256xf32, #tpu.memory_space<hbm>>) target_semaphore(%arg22 : memref<!tpu.dma_semaphore, #tpu.memory_space<semaphore_mem>>)
    %dma_wait3A_130 = arith.constant 5 : i32
    %dma_wait3A_131 = arith.constant 0 : i32
    %dma_wait3A_132 = tpu.memref_slice %arg5[%dma_wait3A_130, %dma_wait3A_131] : memref<8x64xi32, #tpu.memory_space<vmem>> -> memref<1x64xi32, #tpu.memory_space<vmem>>
    %dma_wait3A_133 = tpu.memref_squeeze %dma_wait3A_132 : memref<1x64xi32, #tpu.memory_space<vmem>> -> memref<64xi32, #tpu.memory_space<vmem>>
    %dma_wait3A_134 = arith.constant 0 : i32
    %dma_wait3A_135 = arith.constant 0 : i32
    %dma_wait3A_136 = tpu.memref_slice %arg3[%dma_wait3A_134, %dma_wait3A_135] : memref<100000x256xf32, #tpu.memory_space<hbm>> -> memref<100000x256xf32, #tpu.memory_space<hbm>>
    tpu.wait_indirect_dma semaphore(%arg17 : memref<!tpu.dma_semaphore, #tpu.memory_space<semaphore_mem>>) src(%dma_wait3A_136 : memref<100000x256xf32, #tpu.memory_space<hbm>>) dst(%arg11 : memref<64x256xf32, #tpu.memory_space<vmem>>)
    %add3A_137 = arith.constant 320 : i32
    %add3A_138 = arith.addi %mul3A_2, %add3A_137 : i32
    %dma_start3A_139 = arith.constant 0 : i32
    %dma_start3A_140 = tpu.memref_slice %arg4[%add3A_138, %dma_start3A_139] : memref<16384x256xf32, #tpu.memory_space<hbm>> -> memref<64x256xf32, #tpu.memory_space<hbm>>
    %dma_start3A_141 = arith.constant 0 : i32
    %dma_start3A_142 = tpu.memref_slice %arg4[%add3A_138, %dma_start3A_141] : memref<16384x256xf32, #tpu.memory_space<hbm>> -> memref<64x256xf32, #tpu.memory_space<hbm>>
    tpu.enqueue_dma source(%arg11 : memref<64x256xf32, #tpu.memory_space<vmem>>) target(%dma_start3A_142 : memref<64x256xf32, #tpu.memory_space<hbm>>) target_semaphore(%arg23 : memref<!tpu.dma_semaphore, #tpu.memory_space<semaphore_mem>>)
    %dma_wait3A_143 = arith.constant 6 : i32
    %dma_wait3A_144 = arith.constant 0 : i32
    %dma_wait3A_145 = tpu.memref_slice %arg5[%dma_wait3A_143, %dma_wait3A_144] : memref<8x64xi32, #tpu.memory_space<vmem>> -> memref<1x64xi32, #tpu.memory_space<vmem>>
    %dma_wait3A_146 = tpu.memref_squeeze %dma_wait3A_145 : memref<1x64xi32, #tpu.memory_space<vmem>> -> memref<64xi32, #tpu.memory_space<vmem>>
    %dma_wait3A_147 = arith.constant 0 : i32
    %dma_wait3A_148 = arith.constant 0 : i32
    %dma_wait3A_149 = tpu.memref_slice %arg3[%dma_wait3A_147, %dma_wait3A_148] : memref<100000x256xf32, #tpu.memory_space<hbm>> -> memref<100000x256xf32, #tpu.memory_space<hbm>>
    tpu.wait_indirect_dma semaphore(%arg12 : memref<!tpu.dma_semaphore, #tpu.memory_space<semaphore_mem>>) src(%dma_wait3A_149 : memref<100000x256xf32, #tpu.memory_space<hbm>>) dst(%arg6 : memref<64x256xf32, #tpu.memory_space<vmem>>)
    %add3A_150 = arith.constant 384 : i32
    %add3A_151 = arith.addi %mul3A_2, %add3A_150 : i32
    %dma_start3A_152 = arith.constant 0 : i32
    %dma_start3A_153 = tpu.memref_slice %arg4[%add3A_151, %dma_start3A_152] : memref<16384x256xf32, #tpu.memory_space<hbm>> -> memref<64x256xf32, #tpu.memory_space<hbm>>
    %dma_start3A_154 = arith.constant 0 : i32
    %dma_start3A_155 = tpu.memref_slice %arg4[%add3A_151, %dma_start3A_154] : memref<16384x256xf32, #tpu.memory_space<hbm>> -> memref<64x256xf32, #tpu.memory_space<hbm>>
    tpu.enqueue_dma source(%arg6 : memref<64x256xf32, #tpu.memory_space<vmem>>) target(%dma_start3A_155 : memref<64x256xf32, #tpu.memory_space<hbm>>) target_semaphore(%arg18 : memref<!tpu.dma_semaphore, #tpu.memory_space<semaphore_mem>>)
    %dma_wait3A_156 = arith.constant 7 : i32
    %dma_wait3A_157 = arith.constant 0 : i32
    %dma_wait3A_158 = tpu.memref_slice %arg5[%dma_wait3A_156, %dma_wait3A_157] : memref<8x64xi32, #tpu.memory_space<vmem>> -> memref<1x64xi32, #tpu.memory_space<vmem>>
    %dma_wait3A_159 = tpu.memref_squeeze %dma_wait3A_158 : memref<1x64xi32, #tpu.memory_space<vmem>> -> memref<64xi32, #tpu.memory_space<vmem>>
    %dma_wait3A_160 = arith.constant 0 : i32
    %dma_wait3A_161 = arith.constant 0 : i32
    %dma_wait3A_162 = tpu.memref_slice %arg3[%dma_wait3A_160, %dma_wait3A_161] : memref<100000x256xf32, #tpu.memory_space<hbm>> -> memref<100000x256xf32, #tpu.memory_space<hbm>>
    tpu.wait_indirect_dma semaphore(%arg13 : memref<!tpu.dma_semaphore, #tpu.memory_space<semaphore_mem>>) src(%dma_wait3A_162 : memref<100000x256xf32, #tpu.memory_space<hbm>>) dst(%arg7 : memref<64x256xf32, #tpu.memory_space<vmem>>)
    %add3A_163 = arith.constant 448 : i32
    %add3A_164 = arith.addi %mul3A_2, %add3A_163 : i32
    %dma_start3A_165 = arith.constant 0 : i32
    %dma_start3A_166 = tpu.memref_slice %arg4[%add3A_164, %dma_start3A_165] : memref<16384x256xf32, #tpu.memory_space<hbm>> -> memref<64x256xf32, #tpu.memory_space<hbm>>
    %dma_start3A_167 = arith.constant 0 : i32
    %dma_start3A_168 = tpu.memref_slice %arg4[%add3A_164, %dma_start3A_167] : memref<16384x256xf32, #tpu.memory_space<hbm>> -> memref<64x256xf32, #tpu.memory_space<hbm>>
    tpu.enqueue_dma source(%arg7 : memref<64x256xf32, #tpu.memory_space<vmem>>) target(%dma_start3A_168 : memref<64x256xf32, #tpu.memory_space<hbm>>) target_semaphore(%arg19 : memref<!tpu.dma_semaphore, #tpu.memory_space<semaphore_mem>>)
    %dma_wait3A_169 = arith.constant 0 : i32
    %dma_wait3A_170 = tpu.memref_slice %arg4[%add3A_99, %dma_wait3A_169] : memref<16384x256xf32, #tpu.memory_space<hbm>> -> memref<64x256xf32, #tpu.memory_space<hbm>>
    %dma_wait3A_171 = arith.constant 0 : i32
    %dma_wait3A_172 = tpu.memref_slice %arg4[%add3A_99, %dma_wait3A_171] : memref<16384x256xf32, #tpu.memory_space<hbm>> -> memref<64x256xf32, #tpu.memory_space<hbm>>
    tpu.wait_dma2 semaphore(%arg20 : memref<!tpu.dma_semaphore, #tpu.memory_space<semaphore_mem>>) src(%arg8 : memref<64x256xf32, #tpu.memory_space<vmem>>) dst(%dma_wait3A_172 : memref<64x256xf32, #tpu.memory_space<hbm>>)
    %dma_wait3A_173 = arith.constant 0 : i32
    %dma_wait3A_174 = tpu.memref_slice %arg4[%add3A_112, %dma_wait3A_173] : memref<16384x256xf32, #tpu.memory_space<hbm>> -> memref<64x256xf32, #tpu.memory_space<hbm>>
    %dma_wait3A_175 = arith.constant 0 : i32
    %dma_wait3A_176 = tpu.memref_slice %arg4[%add3A_112, %dma_wait3A_175] : memref<16384x256xf32, #tpu.memory_space<hbm>> -> memref<64x256xf32, #tpu.memory_space<hbm>>
    tpu.wait_dma2 semaphore(%arg21 : memref<!tpu.dma_semaphore, #tpu.memory_space<semaphore_mem>>) src(%arg9 : memref<64x256xf32, #tpu.memory_space<vmem>>) dst(%dma_wait3A_176 : memref<64x256xf32, #tpu.memory_space<hbm>>)
    %dma_wait3A_177 = arith.constant 0 : i32
    %dma_wait3A_178 = tpu.memref_slice %arg4[%add3A_125, %dma_wait3A_177] : memref<16384x256xf32, #tpu.memory_space<hbm>> -> memref<64x256xf32, #tpu.memory_space<hbm>>
    %dma_wait3A_179 = arith.constant 0 : i32
    %dma_wait3A_180 = tpu.memref_slice %arg4[%add3A_125, %dma_wait3A_179] : memref<16384x256xf32, #tpu.memory_space<hbm>> -> memref<64x256xf32, #tpu.memory_space<hbm>>
    tpu.wait_dma2 semaphore(%arg22 : memref<!tpu.dma_semaphore, #tpu.memory_space<semaphore_mem>>) src(%arg10 : memref<64x256xf32, #tpu.memory_space<vmem>>) dst(%dma_wait3A_180 : memref<64x256xf32, #tpu.memory_space<hbm>>)
    %dma_wait3A_181 = arith.constant 0 : i32
    %dma_wait3A_182 = tpu.memref_slice %arg4[%add3A_138, %dma_wait3A_181] : memref<16384x256xf32, #tpu.memory_space<hbm>> -> memref<64x256xf32, #tpu.memory_space<hbm>>
    %dma_wait3A_183 = arith.constant 0 : i32
    %dma_wait3A_184 = tpu.memref_slice %arg4[%add3A_138, %dma_wait3A_183] : memref<16384x256xf32, #tpu.memory_space<hbm>> -> memref<64x256xf32, #tpu.memory_space<hbm>>
    tpu.wait_dma2 semaphore(%arg23 : memref<!tpu.dma_semaphore, #tpu.memory_space<semaphore_mem>>) src(%arg11 : memref<64x256xf32, #tpu.memory_space<vmem>>) dst(%dma_wait3A_184 : memref<64x256xf32, #tpu.memory_space<hbm>>)
    %dma_wait3A_185 = arith.constant 0 : i32
    %dma_wait3A_186 = tpu.memref_slice %arg4[%add3A_151, %dma_wait3A_185] : memref<16384x256xf32, #tpu.memory_space<hbm>> -> memref<64x256xf32, #tpu.memory_space<hbm>>
    %dma_wait3A_187 = arith.constant 0 : i32
    %dma_wait3A_188 = tpu.memref_slice %arg4[%add3A_151, %dma_wait3A_187] : memref<16384x256xf32, #tpu.memory_space<hbm>> -> memref<64x256xf32, #tpu.memory_space<hbm>>
    tpu.wait_dma2 semaphore(%arg18 : memref<!tpu.dma_semaphore, #tpu.memory_space<semaphore_mem>>) src(%arg6 : memref<64x256xf32, #tpu.memory_space<vmem>>) dst(%dma_wait3A_188 : memref<64x256xf32, #tpu.memory_space<hbm>>)
    %dma_wait3A_189 = arith.constant 0 : i32
    %dma_wait3A_190 = tpu.memref_slice %arg4[%add3A_164, %dma_wait3A_189] : memref<16384x256xf32, #tpu.memory_space<hbm>> -> memref<64x256xf32, #tpu.memory_space<hbm>>
    %dma_wait3A_191 = arith.constant 0 : i32
    %dma_wait3A_192 = tpu.memref_slice %arg4[%add3A_164, %dma_wait3A_191] : memref<16384x256xf32, #tpu.memory_space<hbm>> -> memref<64x256xf32, #tpu.memory_space<hbm>>
    tpu.wait_dma2 semaphore(%arg19 : memref<!tpu.dma_semaphore, #tpu.memory_space<semaphore_mem>>) src(%arg7 : memref<64x256xf32, #tpu.memory_space<vmem>>) dst(%dma_wait3A_192 : memref<64x256xf32, #tpu.memory_space<hbm>>)
    return
  }
}

</mosaic_0001>

<sc_bundles>
// kernel: kernel.3.cloned.1.call-start
scs
__scs_entry_jumppad:
0x0: {  	(pc) =	sbr.rel $0x88, $3  }
0x1: {  	(tag) =	ssettag $0x0;
	lr =	simm.s32 $0x1  }
0x2: {  	[smem:$0x3F9F] =	sst lr;
	_ =	strace $0xD0000000  }
0x3: {  	_ = 	snop  }
0x4: {  	_ = 	snop  }
0x5: {  	_ = 	snop  }
0x6: {  	_ = 	snop  }
0x7: {  	_ = 	snop  }
__scs_overlays_trampoline_lowered:
0x8: {  	[smem:$0x3FAE] =	sst s0  }
0x9: {  	[smem:$0x3FAF] =	sst s1  }
0xa: {  	[smem:$0x3FB0] =	sst s2  }
0xb: {  	[smem:$0x3FB1] =	sst s3  }
0xc: {  	[smem:$0x3FB2] =	sst s4  }
0xd: {  	[smem:$0x3FB3] =	sst s5  }
0xe: {  	[smem:$0x3FB4] =	sst s6  }
0xf: {  	[smem:$0x3FB5] =	sst s7  }
0x10: {  	[smem:$0x3FB6] =	sst s8  }
0x11: {  	[smem:$0x3FB7] =	sst s9;
	s0 =	simm.s32 @!p0 $0x0  }
0x12: {  	s1 =	sld [smem:$0x3F9D];
	s0 =	simm.s32 @p0 $0x1  }
0x13: {  	[smem:$0x3FB8] =	sst s0;
	s0 =	simm.s32 @!p1 $0x0  }
0x14: {  	s2 =	sld [smem:$0x3F9C];
	s0 =	simm.s32 @p1 $0x1  }
0x15: {  	[smem:$0x3FB9] =	sst s0;
	s0 =	simm.s32 @!p2 $0x0  }
0x16: {  	s3 =	sld [smem:$0x3FDB];
	s0 =	simm.s32 @p2 $0x1  }
0x17: {  	s4 =	simm.s32 $0x1BF5;
	[smem:$0x3FBB] =	sst s0  }
0x18: {  	s0 =	sld [smem:$0x3F9E];
	_ =	swait.ge [sflag:s4], $0x0  }
0x19: {  	s7 =	sld [smem:$0x3F9F]  }
0x1a: {  	s8 =	sadd.s32 $0xFFFFE003, lr  }
0x1b: {  	s9 =	sadd.s32 $0xFFFFFEF7, lr;
	s5 =	simm.s32 $0xFFFFFFFF;
	p2 =	slt.u32 s8, $0xFFFFF086  }
0x1c: {  	p1 =	slt.u32 s9, $0xF7A;
	s5 =	simm.s32 @!p2 $0x0  }
0x1d: {  	s5 =	simm.s32 @p1 $0x1;
	p0 =	seq.s32 s7, s2  }
0x1e: {  	s7 =	smul.u32 @!p0 $0xF7A, s2;
	p2 =	seq.s32 @!p0 s5, $0x0  }
0x1f: {  	s9 =	smul.u32 $0xF7A, s1;
	s8 =	simm.s32 @!p0 $0x1BF5;
	p2 =	por !p2, p0  }
0x20: {  	[sflag:s8] =	ssyncset.s32 @!p0 $0xFFFFF086;
	s6 =	sadd.s32 @!p0 s3, s7;
	s7 =	simm.s32 @!p0 $0x108  }
0x21: {  	s3 =	sadd.s32 s3, s9;
	s6 =	sadd.s32 @!p0 $0x88, s6;
	s7 =	simm.s32 @p2 $0x1082  }
0x22: {  	[simem:s7], [sflag:s8] =	dma.local @!p0 [hbm:s6], $0xF7A  }
0x23: {  	s9 =	sor.u32 $0xD0000000, s2;
	s6 =	simm.s32 $0x108;
	_ =	swait.ge @!p0 [sflag:s8], $0x0  }
0x24: {  	s3 =	sadd.s32 $0x88, s3;
	s6 =	simm.s32 @!p1 $0x1082;
	[sflag:s4] =	ssyncset.s32 $0xFFFFF086  }
0x25: {  	[simem:s6], [sflag:s4] =	dma.local [hbm:s3], $0xF7A  }
0x26: {  	[smem:$0x3F9F] =	sst s1;
	(tag) =	ssettag s2;
	_ =	strace s9  }
0x27: {  	s1 =	sld [smem:$0x3FAF]  }
0x28: {  	s2 =	sld [smem:$0x3FB0]  }
0x29: {  	s4 =	sld [smem:$0x3FB2]  }
0x2a: {  	p0 =	seq.s32 s5, $0x0;
	s5 =	sld [smem:$0x3FB3]  }
0x2b: {  	s6 =	sld [smem:$0x3FB4]  }
0x2c: {  	s7 =	sld [smem:$0x3FB5]  }
0x2d: {  	s3 =	simm.s32 $0x108;
	s8 =	sld [smem:$0x3FB6]  }
0x2e: {  	s3 =	simm.s32 @!p0 $0x1082;
	s9 =	sld [smem:$0x3FB7]  }
0x2f: {  	lr =	sadd.s32 s0, s3;
	s0 =	sld [smem:$0x3FAE]  }
0x30: {  	s3 =	sld [smem:$0x3FB1]  }
0x31: {  	[smem:$0x3FBA] =	sst s10  }
0x32: {  	s10 =	sld [smem:$0x3FB8];
	_ =	sdelay $0x3  }
0x33: {  	p0 =	seq.s32 s10, $0x1;
	s10 =	sld [smem:$0x3FBA];
	_ =	sdelay $0x3  }
0x34: {  	[smem:$0x3FBA] =	sst s10  }
0x35: {  	s10 =	sld [smem:$0x3FB9];
	_ =	sdelay $0x3  }
0x36: {  	p1 =	seq.s32 s10, $0x1;
	s10 =	sld [smem:$0x3FBA];
	_ =	sdelay $0x3  }
0x37: {  	[smem:$0x3FBA] =	sst s10  }
0x38: {  	s10 =	sld [smem:$0x3FBB]  }
0x39: {  	_ = 	snop;
	(pc) =	sbr.ind lr, $3  }
0x3a: {  	_ = 	snop  }
0x3b: {  	_ = 	snop  }
0x3c: {  	p2 =	seq.s32 s10, $0x1;
	s10 =	sld [smem:$0x3FBA]  }
0x3d: {  	_ =	shalt  }
0x3e: {  	_ =	shalt  }
0x3f: {  	_ =	shalt  }
0x40: {  	_ =	shalt  }
0x41: {  	_ =	shalt  }
0x42: {  	_ =	shalt  }
0x43: {  	_ =	shalt  }
0x44: {  	_ =	shalt  }
0x45: {  	_ =	shalt  }
0x46: {  	_ =	shalt  }
0x47: {  	_ =	shalt  }
0x48: {  	_ =	shalt  }
0x49: {  	_ =	shalt  }
0x4a: {  	_ =	shalt  }
0x4b: {  	_ =	shalt  }
0x4c: {  	_ =	shalt  }
0x4d: {  	_ =	shalt  }
0x4e: {  	_ =	shalt  }
0x4f: {  	_ =	shalt  }
0x50: {  	_ =	shalt  }
0x51: {  	_ =	shalt  }
0x52: {  	_ =	shalt  }
0x53: {  	_ =	shalt  }
0x54: {  	_ =	shalt  }
0x55: {  	_ =	shalt  }
0x56: {  	_ =	shalt  }
0x57: {  	_ =	shalt  }
0x58: {  	_ =	shalt  }
0x59: {  	_ =	shalt  }
0x5a: {  	_ =	shalt  }
0x5b: {  	_ =	shalt  }
0x5c: {  	_ =	shalt  }
0x5d: {  	_ =	shalt  }
0x5e: {  	_ =	shalt  }
0x5f: {  	_ =	shalt  }
0x60: {  	_ =	shalt  }
0x61: {  	_ =	shalt  }
0x62: {  	_ =	shalt  }
0x63: {  	_ =	shalt  }
0x64: {  	_ =	shalt  }
0x65: {  	_ =	shalt  }
0x66: {  	_ =	shalt  }
0x67: {  	_ =	shalt  }
0x68: {  	_ =	shalt  }
0x69: {  	_ =	shalt  }
0x6a: {  	_ =	shalt  }
0x6b: {  	_ =	shalt  }
0x6c: {  	_ =	shalt  }
0x6d: {  	_ =	shalt  }
0x6e: {  	_ =	shalt  }
0x6f: {  	_ =	shalt  }
0x70: {  	_ =	shalt  }
0x71: {  	_ =	shalt  }
0x72: {  	_ =	shalt  }
0x73: {  	_ =	shalt  }
0x74: {  	_ =	shalt  }
0x75: {  	_ =	shalt  }
0x76: {  	_ =	shalt  }
0x77: {  	_ =	shalt  }
0x78: {  	_ =	shalt  }
0x79: {  	_ =	shalt  }
0x7a: {  	_ =	shalt  }
0x7b: {  	_ =	shalt  }
0x7c: {  	_ =	shalt  }
0x7d: {  	_ =	shalt  }
0x7e: {  	_ =	shalt  }
0x7f: {  	_ =	shalt  }
0x80: {  	_ =	shalt  }
0x81: {  	_ =	shalt  }
0x82: {  	_ =	shalt  }
0x83: {  	_ =	shalt  }
0x84: {  	_ =	shalt  }
0x85: {  	_ =	shalt  }
0x86: {  	_ =	shalt  }
0x87: {  	_ =	shalt  }
.Lfunc_end0:
.L_simem_size_0:
called_computation_lowered:
.L_overlay_start_0:
0x88: {  	s2 =	sld [smem:$0x3FD9]  }
0x89: {  	s3 =	sld [smem:$0x3FFE];
	_ =	sdelay $0x1  }
0x8a: {  	s1 =	srdreg.scid  }
0x8b: {  	s0 =	sand.u32 $0x1, s1  }
0x8c: {  	s17 =	sshll.u32 s0, $0xA;
	s2 =	sadd.s32 s3, s2  }
0x8d: {  	s2 =	sadd.s32 s2, s17  }
0x8e: {  	[smem:$0x3FC6] =	sst s2  }
0x8f: {  	_ = 	snop  }
0x90: {  	s2 =	sld [smem:$0x3FC8]  }
0x91: {  	s18 =	sld [smem:$0x3FD0];
	(tm) =	ssettm $0x1  }
0x92: {  	s4 =	sld [smem:$0x3FFB];
	_ =	sdelay $0x3  }
0x93: {  	_ =	strace s4  }
0x94: {  	s4 =	sld [smem:$0x3FFC];
	_ =	sdelay $0x3  }
0x95: {  	_ =	strace s4  }
0x96: {  	s4 =	sld [smem:$0x3FFD];
	_ =	sdelay $0x3  }
0x97: {  	_ =	strace s4  }
0x98: {  	_ =	strace $0x8FFFFFFF  }
0x99: {  	s19 =	sld [smem:$0x3FDB];
	_ =	sdelay $0x1  }
0x9a: {  	s5 =	simm.s32 $_scs_section_size  }
0x9b: {  	s6 =	simm.s32 $_size__tile_overlayer_lowered;
	s7 =	simm.s32 $_tile_overlayer_lowered  }
0x9c: {  	s22 =	simm.s32 $0x1BFF;
	s21 =	sshll.u32 s7, $0x1;
	s4 =	sadd.s32 s5, s19  }
0x9d: {  	s8 =	simm.s32 $0x0;
	s20 =	sshll.u32 s6, $0x1;
	s6 =	sadd.s32 s21, s4  }
0x9e: {  	[timem:s8], [sflag:s22] =	dma.local [hbm:s6], s20  }
0x9f: {  	_ =	swait.ge [sflag:s22], s20  }
0xa0: {  	s5 =	ssub.s32 $0x0, s20;
	[sflag:s22] =	ssyncset.done $0x0  }
0xa1: {  	[sflag:s22] =	ssyncadd.s32 s5;
	_ =	sdelay $0x1  }
0xa2: {  	s23 =	simm.s32 $0x1B8B  }
0xa3: {  	_ =	swait.ge [sflag:s23], $0x1  }
0xa4: {  	[sflag:s23] =	ssyncset.done $0x0  }
0xa5: {  	s25 =	simm.s32 $0x1B8E;
	s24 =	sld [smem:$0x3FFE];
	[sflag:s23] =	ssyncadd.s32 $0xFFFFFFFF  }
0xa6: {  	s26 =	simm.s32 $execute0_lowered;
	[smem:$0x3FD2] =	sst s25  }
0xa7: {  	s6 =	sshll.u32 s26, $0x1;
	_ =	strace $0x80000046;
	[dreg:$0x1] =	wrdreg $0xFFFFFFFF  }
0xa8: {  	s28 =	simm.s32 $_size_execute0_lowered;
	s4 =	sadd.s32 s4, s6;
	[dreg:$0x0] =	wrdreg $0x0  }
0xa9: {  	s6 =	sshll.u32 s28, $0x1;
	[dreg:$0x2] =	wrdreg s4  }
0xaa: {  	[dreg:$0x3] =	wrdreg s6  }
0xab: {  	[dreg:$0x4] =	wrdreg $0xC0  }
0xac: {  	_ =	task [dreg:s8], $0x5FFFF  }
0xad: {  	[dreg:$0x1] =	wrdreg $0xFFFFFFFF  }
0xae: {  	[dreg:$0x0] =	wrdreg $0x60  }
0xaf: {  	[dreg:$0x2] =	wrdreg s24  }
0xb0: {  	[dreg:$0x3] =	wrdreg s2  }
0xb1: {  	[dreg:$0x4] =	wrdreg s18  }
0xb2: {  	[dreg:$0x5] =	wrdreg $0x9  }
0xb3: {  	_ =	task.clear_ibuf [dreg:s8], $0x6FFFF;
	_ =	strace $0x90000046  }
0xb4: {  	s29 =	simm.s32 $0x9;
	_ =	strace $0x80000048  }
0xb5: {  	_ =	swait.ge [sflag:s29], $0x1  }
0xb6: {  	[sflag:s29] =	ssyncadd.s32 $0xFFFFFFFF  }
0xb7: {  	_ =	strace $0x90000048  }
0xb8: {  	_ =	sfence  }
0xb9: {  	s30 =	sld [smem:$0x0];
	_ =	sdelay $0x2  }
0xba: {  	s31 =	sshll.u32 s1, $0xD;
	s1 =	sshrl.u32 s1, $0x2  }
0xbb: {  	s3 =	sand.u32 $0x4000, s31;
	s1 =	sadd.s32 s1, s30  }
0xbc: {  	s0 =	sor.u32 s3, s0;
	s1 =	sshll.u32 s1, $0x11  }
0xbd: {  	s0 =	sor.u32 s1, s0  }
0xbe: {  	s0 =	sadd.s32 $0x8F2B, s0  }
0xbf: {  	[sflag:s0] =	ssyncadd.remote.s32 $0x1  }
0xc0: {  	_ =	sfence.sel $0xFFFF  }
0xc1: {  	[dreg:$0x0] =	wrdreg $0xFFFFFFFF;
	(pc) =	sbr.abs _section_cstart, $3  }
0xc2: {  	[dreg:$0x1] =	wrdreg $0xFFFFFFFF  }
0xc3: {  	_ =	task.clear_ibuf [dreg:s8], $0x2FFFF;
	_ =	strace $0x9FFFFFFF  }
0xc4: {  	(tm) =	ssettm $0x7FFFFFFF  }
0xc5: {  	_ =	shalt  }
tec
execute0_lowered:
.L_overlay_start_1:
0x0: {  	(tag) =	ssettag $0x1  }
0x1: {  	s0 =	rddreg [dreg:$0x0]  }
0x2: {  	s1 =	srdreg.scid;
	s3 =	stileid.u32  }
0x3: {  	s2 =	rddreg [dreg:$0x1];
	s1 =	sand.u32 $0x1, s1;
	s3 =	sshll.u32 s3, $0x1  }
0x4: {  	s4 =	rddreg [dreg:$0x2];
	s5 =	sor.u32 s1, s3;
	s3 =	simm.s32 $0x0  }
0x5: {  	s20 =	simm.s32 $0x8C00;
	[smem:$0x7FF] =	sst s3  }
0x6: {  	s21 =	simm.s32 $0x9400;
	_ =	strace $0x80000047;
	[dreg:$0xc] =	wrdreg s20  }
0x7: {  	s22 =	simm.s32 $0x9C00;
	[dreg:$0xd] =	wrdreg s21  }
0x8: {  	s23 =	simm.s32 $0xA400;
	[dreg:$0xe] =	wrdreg s22  }
0x9: {  	s24 =	simm.s32 $0xAC00;
	[dreg:$0xf] =	wrdreg s23  }
0xa: {  	s25 =	simm.s32 $0xB400;
	[dreg:$0x10] =	wrdreg s24  }
0xb: {  	s7 =	simm.s32 $0xD400;
	[dreg:$0x11] =	wrdreg s25  }
0xc: {  	s8 =	simm.s32 $0xDC00;
	[dreg:$0x14] =	wrdreg s7  }
0xd: {  	s9 =	simm.s32 $0xE400;
	[dreg:$0x15] =	wrdreg s8  }
0xe: {  	s10 =	simm.s32 $0xEC00;
	[dreg:$0x16] =	wrdreg s9  }
0xf: {  	s11 =	simm.s32 $0xF400;
	s12 =	simm.s32 $0xFC00;
	[dreg:$0x17] =	wrdreg s10  }
0x10: {  	s6 =	sshll.u32 s5, $0x7;
	s5 =	sshll.u32 s5, $0xE;
	[dreg:$0x18] =	wrdreg s11  }
0x11: {  	s4 =	sadd.s32 s4, s5;
	[dreg:$0x19] =	wrdreg s12  }
0x12: {  	s0 =	sadd.s32 s6, s0;
	s6 =	simm.s32 $0xCC00;
	[smem:$0x7F5] =	sst s4  }
0x13: {  	s28 =	simm.s32 $0x1;
	s20 =	simm.s32 $0x14C00;
	[dreg:$0x13] =	wrdreg s6  }
0x14: {  	s29 =	simm.s32 $0x7;
	s21 =	simm.s32 $0x15400;
	[smem:$0x7F7] =	sst s20  }
0x15: {  	s30 =	simm.s32 $0x2;
	s22 =	simm.s32 $0x15C00;
	[smem:$0x7F8] =	sst s21  }
0x16: {  	s31 =	simm.s32 $0x8;
	s23 =	simm.s32 $0x16400;
	[smem:$0x7F9] =	sst s22  }
0x17: {  	s1 =	ssub.s32 $0x2, s1;
	s24 =	simm.s32 $0x16C00;
	[smem:$0x7FA] =	sst s23  }
0x18: {  	s26 =	sshrl.u32 s1, $0x1;
	s25 =	simm.s32 $0x17400;
	[smem:$0x7FB] =	sst s24  }
0x19: {  	s1 =	ssub.s32 s1, s26;
	s26 =	simm.s32 $0x17C00;
	[smem:$0x7FC] =	sst s25  }
0x1a: {  	s7 =	simm.s32 $0x400;
	s0 =	sadd.s32 $0x400, s0;
	[smem:$0x7FD] =	sst s26  }
0x1b: {  	s12 =	simm.s32 $0xB;
	s13 =	sadd.s32 $0x800, s4;
	[dreg:$0x4] =	wrdreg s0  }
0x1c: {  	s8 =	simm.s32 $0x8400;
	s14 =	sadd.s32 $0x1000, s4;
	[dreg:$0x5] =	wrdreg s13  }
0x1d: {  	s9 =	simm.s32 $0xC400;
	s15 =	sadd.s32 $0x1800, s4;
	[dreg:$0x6] =	wrdreg s14  }
0x1e: {  	s10 =	simm.s32 $0x10400;
	s16 =	sadd.s32 $0x2000, s4;
	[dreg:$0x7] =	wrdreg s15  }
0x1f: {  	s11 =	simm.s32 $0x14400;
	s17 =	sadd.s32 $0x2800, s4;
	[dreg:$0x8] =	wrdreg s16  }
0x20: {  	s18 =	sadd.s32 $0x3000, s4;
	s19 =	sadd.s32 $0x3800, s4;
	[dreg:$0x9] =	wrdreg s17  }
0x21: {  	s4 =	simm.s32 $0xBC00;
	s5 =	smax.u32 s1, $0x1;
	[dreg:$0xa] =	wrdreg s18  }
0x22: {  	s20 =	simm.s32 $0x2400;
	s21 =	simm.s32 $0x2C00;
	[dreg:$0xb] =	wrdreg s19  }
0x23: {  	s22 =	simm.s32 $0x3400;
	[dreg:$0x12] =	wrdreg s4;
	s13 =	simm.s32 $0x10C00  }
0x24: {  	s23 =	simm.s32 $0x3C00;
	s14 =	simm.s32 $0x11400;
	[dreg:$0x1a] =	wrdreg s13  }
0x25: {  	s24 =	simm.s32 $0x4C00;
	s15 =	simm.s32 $0x11C00;
	[dreg:$0x1b] =	wrdreg s14  }
0x26: {  	s25 =	simm.s32 $0x5400;
	s16 =	simm.s32 $0x12400;
	[dreg:$0x1c] =	wrdreg s15  }
0x27: {  	s26 =	simm.s32 $0x5C00;
	s17 =	simm.s32 $0x12C00;
	[dreg:$0x1d] =	wrdreg s16  }
0x28: {  	s6 =	simm.s32 $0x6C00;
	s18 =	simm.s32 $0x13400;
	[dreg:$0x1e] =	wrdreg s17  }
0x29: {  	v2 =	vlaneseq.u32;
	s1 =	simm.s32 $0x7400;
	s19 =	simm.s32 $0x13C00;
	[dreg:$0x1f] =	wrdreg s18  }
0x2a: {  	vm0 =	vmmov $0xffff;
	v1 =	vshrl.u32 v2, $0x3;
	s15 =	simm.s32 $0x4400;
	[smem:$0x7F6] =	sst s19;
	s13 =	simm.s32 $0xC  }
0x2b: {  	v0 =	vand.u32 $0x7, v2;
	v2 =	vor.u32 $0x8, v2;
	v1 =	vmul.u32 $0x8, v1;
	s17 =	simm.s32 $0xC00;
	s18 =	simm.s32 $0x1400;
	s19 =	simm.s32 $0x1C00  }
.LBB2_1:
0x2c: {  	s14 =	rddreg [dreg:$0x4];
	s4 =	simm.s32 $0xD  }
0x2d: {  	[tilespmem:s3], [sflag:$0xD] =	stream.linear.gather [hbm4b:s14+s3], $0x400, $0x38;
	[tilespmem:$0x18400] =	vst v63  }
0x2e: {  	_ =	swait.ge [sflag:s4], $0x400  }
0x2f: {  	[sflag:s4] =	ssyncset.done $0x0  }
0x30: {  	[sflag:s4] =	ssyncadd.s32 $0xFFFFFC00  }
0x31: {  	v3 =	vld [tilespmem:$0x0];
	_ =	sdelay $0x4  }
0x32: {  	v4 =	vshll.u32 v3, $0x1  }
0x33: {  	v3 =	vand.u32 $0x7, v3;
	v4 =	vand.u32 $0xFFFFFFF0, v4  }
0x34: {  	v3 =	vor.u32 v3, v4  }
0x35: {  	v4 =	vperm.xlane v3, v0;
	_ =	sdelay $0x1  }
0x36: {  	v3 =	vperm.xlane v3, v2;
	v4 =	vadd.s32 v1, v4;
	_ =	sdelay $0x1  }
0x37: {  	v3 =	vadd.s32 v1, v3;
	_ =	sdelay $0x2  }
0x38: {  	[tilespmem:s7], [sflag:$0x1] =	stream.indirect_vreg.gather [hbm4b:s2+s3], $0x80, v4, vm0, $0xb8;
	[tilespmem:$0x18400] =	vst v63  }
0x39: {  	_ = 	snop  }
0x3a: {  	[tilespmem:s17], [sflag:$0x1] =	stream.indirect_vreg.gather [hbm4b:s2+s3], $0x80, v3, vm0, $0xb8;
	[tilespmem:$0x18400] =	vst v63  }
0x3b: {  	v3 =	vld [tilespmem:$0x10];
	_ =	sdelay $0x4  }
0x3c: {  	v33 =	vshll.u32 v3, $0x1  }
0x3d: {  	v3 =	vand.u32 $0x7, v3;
	v4 =	vand.u32 $0xFFFFFFF0, v33  }
0x3e: {  	v3 =	vor.u32 v3, v4  }
0x3f: {  	v4 =	vperm.xlane v3, v0;
	_ =	sdelay $0x1  }
0x40: {  	v3 =	vperm.xlane v3, v2;
	v4 =	vadd.s32 v1, v4;
	_ =	sdelay $0x1  }
0x41: {  	v3 =	vadd.s32 v1, v3;
	_ =	sdelay $0x2  }
0x42: {  	[tilespmem:s18], [sflag:$0x1] =	stream.indirect_vreg.gather [hbm4b:s2+s3], $0x80, v4, vm0, $0xb8;
	[tilespmem:$0x18400] =	vst v63  }
0x43: {  	_ = 	snop  }
0x44: {  	[tilespmem:s19], [sflag:$0x1] =	stream.indirect_vreg.gather [hbm4b:s2+s3], $0x80, v3, vm0, $0xb8;
	[tilespmem:$0x18400] =	vst v63  }
0x45: {  	v3 =	vld [tilespmem:$0x20];
	_ =	sdelay $0x4  }
0x46: {  	v34 =	vshll.u32 v3, $0x1  }
0x47: {  	v3 =	vand.u32 $0x7, v3;
	v4 =	vand.u32 $0xFFFFFFF0, v34  }
0x48: {  	v3 =	vor.u32 v3, v4  }
0x49: {  	v4 =	vperm.xlane v3, v0;
	_ =	sdelay $0x1  }
0x4a: {  	v3 =	vperm.xlane v3, v2;
	v4 =	vadd.s32 v1, v4;
	_ =	sdelay $0x1  }
0x4b: {  	v3 =	vadd.s32 v1, v3;
	_ =	sdelay $0x2  }
0x4c: {  	[tilespmem:s20], [sflag:$0x1] =	stream.indirect_vreg.gather [hbm4b:s2+s3], $0x80, v4, vm0, $0xb8;
	[tilespmem:$0x18400] =	vst v63  }
0x4d: {  	_ = 	snop  }
0x4e: {  	[tilespmem:s21], [sflag:$0x1] =	stream.indirect_vreg.gather [hbm4b:s2+s3], $0x80, v3, vm0, $0xb8;
	[tilespmem:$0x18400] =	vst v63  }
0x4f: {  	v3 =	vld [tilespmem:$0x30];
	_ =	sdelay $0x4  }
0x50: {  	v35 =	vshll.u32 v3, $0x1  }
0x51: {  	v3 =	vand.u32 $0x7, v3;
	v4 =	vand.u32 $0xFFFFFFF0, v35  }
0x52: {  	v3 =	vor.u32 v3, v4  }
0x53: {  	v4 =	vperm.xlane v3, v0;
	_ =	sdelay $0x1  }
0x54: {  	v3 =	vperm.xlane v3, v2;
	v4 =	vadd.s32 v1, v4;
	_ =	sdelay $0x1  }
0x55: {  	v3 =	vadd.s32 v1, v3;
	_ =	sdelay $0x2  }
0x56: {  	[tilespmem:s22], [sflag:$0x1] =	stream.indirect_vreg.gather [hbm4b:s2+s3], $0x80, v4, vm0, $0xb8;
	[tilespmem:$0x18400] =	vst v63  }
0x57: {  	_ = 	snop  }
0x58: {  	[tilespmem:s23], [sflag:$0x1] =	stream.indirect_vreg.gather [hbm4b:s2+s3], $0x80, v3, vm0, $0xb8;
	[tilespmem:$0x18400] =	vst v63  }
0x59: {  	v3 =	vld [tilespmem:$0x80];
	_ =	sdelay $0x4  }
0x5a: {  	v36 =	vshll.u32 v3, $0x1  }
0x5b: {  	v3 =	vand.u32 $0x7, v3;
	v4 =	vand.u32 $0xFFFFFFF0, v36  }
0x5c: {  	v3 =	vor.u32 v3, v4  }
0x5d: {  	v4 =	vperm.xlane v3, v0;
	_ =	sdelay $0x1  }
0x5e: {  	v3 =	vperm.xlane v3, v2;
	v4 =	vadd.s32 v1, v4;
	_ =	sdelay $0x1  }
0x5f: {  	v3 =	vadd.s32 v1, v3;
	_ =	sdelay $0x2  }
0x60: {  	[tilespmem:s15], [sflag:$0x2] =	stream.indirect_vreg.gather [hbm4b:s2+s3], $0x80, v4, vm0, $0xb8;
	[tilespmem:$0x18400] =	vst v63  }
0x61: {  	_ = 	snop  }
0x62: {  	[tilespmem:s24], [sflag:$0x2] =	stream.indirect_vreg.gather [hbm4b:s2+s3], $0x80, v3, vm0, $0xb8;
	[tilespmem:$0x18400] =	vst v63  }
0x63: {  	v3 =	vld [tilespmem:$0x90];
	_ =	sdelay $0x4  }
0x64: {  	v37 =	vshll.u32 v3, $0x1  }
0x65: {  	v3 =	vand.u32 $0x7, v3;
	v4 =	vand.u32 $0xFFFFFFF0, v37  }
0x66: {  	v3 =	vor.u32 v3, v4  }
0x67: {  	v4 =	vperm.xlane v3, v0;
	_ =	sdelay $0x1  }
0x68: {  	v3 =	vperm.xlane v3, v2;
	v4 =	vadd.s32 v1, v4;
	_ =	sdelay $0x1  }
0x69: {  	v3 =	vadd.s32 v1, v3;
	_ =	sdelay $0x2  }
0x6a: {  	[tilespmem:s25], [sflag:$0x2] =	stream.indirect_vreg.gather [hbm4b:s2+s3], $0x80, v4, vm0, $0xb8;
	[tilespmem:$0x18400] =	vst v63  }
0x6b: {  	_ = 	snop  }
0x6c: {  	[tilespmem:s26], [sflag:$0x2] =	stream.indirect_vreg.gather [hbm4b:s2+s3], $0x80, v3, vm0, $0xb8;
	[tilespmem:$0x18400] =	vst v63  }
0x6d: {  	v3 =	vld [tilespmem:$0xA0];
	_ =	sdelay $0x4  }
0x6e: {  	v38 =	vshll.u32 v3, $0x1  }
0x6f: {  	v3 =	vand.u32 $0x7, v3;
	v4 =	vand.u32 $0xFFFFFFF0, v38  }
0x70: {  	v3 =	vor.u32 v3, v4  }
0x71: {  	v4 =	vperm.xlane v3, v0;
	_ =	sdelay $0x1  }
0x72: {  	v3 =	vperm.xlane v3, v2;
	v4 =	vadd.s32 v1, v4;
	_ =	sdelay $0x1  }
0x73: {  	v3 =	vadd.s32 v1, v3;
	_ =	sdelay $0x1  }
0x74: {  	s4 =	simm.s32 $0x6400  }
0x75: {  	[tilespmem:s4], [sflag:$0x2] =	stream.indirect_vreg.gather [hbm4b:s2+s3], $0x80, v4, vm0, $0xb8;
	[tilespmem:$0x18400] =	vst v63  }
0x76: {  	_ = 	snop  }
0x77: {  	[tilespmem:s6], [sflag:$0x2] =	stream.indirect_vreg.gather [hbm4b:s2+s3], $0x80, v3, vm0, $0xb8;
	[tilespmem:$0x18400] =	vst v63  }
0x78: {  	v3 =	vld [tilespmem:$0xB0];
	_ =	sdelay $0x4  }
0x79: {  	v39 =	vshll.u32 v3, $0x1  }
0x7a: {  	v3 =	vand.u32 $0x7, v3;
	v4 =	vand.u32 $0xFFFFFFF0, v39  }
0x7b: {  	v3 =	vor.u32 v3, v4  }
0x7c: {  	v4 =	vperm.xlane v3, v0;
	_ =	sdelay $0x1  }
0x7d: {  	v3 =	vperm.xlane v3, v2;
	v4 =	vadd.s32 v1, v4;
	_ =	sdelay $0x1  }
0x7e: {  	v3 =	vadd.s32 v1, v3;
	_ =	sdelay $0x2  }
0x7f: {  	[tilespmem:s1], [sflag:$0x2] =	stream.indirect_vreg.gather [hbm4b:s2+s3], $0x80, v4, vm0, $0xb8;
	[tilespmem:$0x18400] =	vst v63  }
0x80: {  	s0 =	simm.s32 $0x7C00  }
0x81: {  	[tilespmem:s0], [sflag:$0x2] =	stream.indirect_vreg.gather [hbm4b:s2+s3], $0x80, v3, vm0, $0xb8;
	[tilespmem:$0x18400] =	vst v63  }
0x82: {  	v3 =	vld [tilespmem:$0x100];
	_ =	sdelay $0x4  }
0x83: {  	v40 =	vshll.u32 v3, $0x1  }
0x84: {  	v3 =	vand.u32 $0x7, v3;
	v4 =	vand.u32 $0xFFFFFFF0, v40  }
0x85: {  	v3 =	vor.u32 v3, v4  }
0x86: {  	v4 =	vperm.xlane v3, v0;
	_ =	sdelay $0x1  }
0x87: {  	v3 =	vperm.xlane v3, v2;
	v4 =	vadd.s32 v1, v4;
	_ =	sdelay $0x1  }
0x88: {  	v3 =	vadd.s32 v1, v3;
	_ =	sdelay $0x2  }
0x89: {  	[tilespmem:s8], [sflag:$0x3] =	stream.indirect_vreg.gather [hbm4b:s2+s3], $0x80, v4, vm0, $0xb8;
	[tilespmem:$0x18400] =	vst v63  }
0x8a: {  	s16 =	rddreg [dreg:$0xc]  }
0x8b: {  	[tilespmem:s16], [sflag:$0x3] =	stream.indirect_vreg.gather [hbm4b:s2+s3], $0x80, v3, vm0, $0xb8;
	[tilespmem:$0x18400] =	vst v63  }
0x8c: {  	v3 =	vld [tilespmem:$0x110];
	_ =	sdelay $0x4  }
0x8d: {  	v41 =	vshll.u32 v3, $0x1  }
0x8e: {  	v3 =	vand.u32 $0x7, v3;
	v4 =	vand.u32 $0xFFFFFFF0, v41  }
0x8f: {  	v3 =	vor.u32 v3, v4  }
0x90: {  	v4 =	vperm.xlane v3, v0;
	_ =	sdelay $0x1  }
0x91: {  	v3 =	vperm.xlane v3, v2;
	v4 =	vadd.s32 v1, v4;
	_ =	sdelay $0x1  }
0x92: {  	v3 =	vadd.s32 v1, v3;
	_ =	sdelay $0x1  }
0x93: {  	s14 =	rddreg [dreg:$0xd]  }
0x94: {  	[tilespmem:s14], [sflag:$0x3] =	stream.indirect_vreg.gather [hbm4b:s2+s3], $0x80, v4, vm0, $0xb8;
	[tilespmem:$0x18400] =	vst v63  }
0x95: {  	s16 =	rddreg [dreg:$0xe]  }
0x96: {  	[tilespmem:s16], [sflag:$0x3] =	stream.indirect_vreg.gather [hbm4b:s2+s3], $0x80, v3, vm0, $0xb8;
	[tilespmem:$0x18400] =	vst v63  }
0x97: {  	v3 =	vld [tilespmem:$0x120];
	_ =	sdelay $0x4  }
0x98: {  	v42 =	vshll.u32 v3, $0x1  }
0x99: {  	v3 =	vand.u32 $0x7, v3;
	v4 =	vand.u32 $0xFFFFFFF0, v42  }
0x9a: {  	v3 =	vor.u32 v3, v4  }
0x9b: {  	v4 =	vperm.xlane v3, v0;
	_ =	sdelay $0x1  }
0x9c: {  	v3 =	vperm.xlane v3, v2;
	v4 =	vadd.s32 v1, v4;
	_ =	sdelay $0x1  }
0x9d: {  	v3 =	vadd.s32 v1, v3;
	_ =	sdelay $0x1  }
0x9e: {  	s14 =	rddreg [dreg:$0xf]  }
0x9f: {  	[tilespmem:s14], [sflag:$0x3] =	stream.indirect_vreg.gather [hbm4b:s2+s3], $0x80, v4, vm0, $0xb8;
	[tilespmem:$0x18400] =	vst v63  }
0xa0: {  	s16 =	rddreg [dreg:$0x10]  }
0xa1: {  	[tilespmem:s16], [sflag:$0x3] =	stream.indirect_vreg.gather [hbm4b:s2+s3], $0x80, v3, vm0, $0xb8;
	[tilespmem:$0x18400] =	vst v63  }
0xa2: {  	v3 =	vld [tilespmem:$0x130];
	_ =	sdelay $0x4  }
0xa3: {  	v43 =	vshll.u32 v3, $0x1  }
0xa4: {  	v3 =	vand.u32 $0x7, v3;
	v4 =	vand.u32 $0xFFFFFFF0, v43  }
0xa5: {  	v3 =	vor.u32 v3, v4  }
0xa6: {  	v4 =	vperm.xlane v3, v0;
	_ =	sdelay $0x1  }
0xa7: {  	v3 =	vperm.xlane v3, v2;
	v4 =	vadd.s32 v1, v4;
	_ =	sdelay $0x1  }
0xa8: {  	v3 =	vadd.s32 v1, v3;
	_ =	sdelay $0x1  }
0xa9: {  	s14 =	rddreg [dreg:$0x11]  }
0xaa: {  	[tilespmem:s14], [sflag:$0x3] =	stream.indirect_vreg.gather [hbm4b:s2+s3], $0x80, v4, vm0, $0xb8;
	[tilespmem:$0x18400] =	vst v63  }
0xab: {  	s16 =	rddreg [dreg:$0x12]  }
0xac: {  	[tilespmem:s16], [sflag:$0x3] =	stream.indirect_vreg.gather [hbm4b:s2+s3], $0x80, v3, vm0, $0xb8;
	[tilespmem:$0x18400] =	vst v63  }
0xad: {  	v3 =	vld [tilespmem:$0x180];
	_ =	sdelay $0x4  }
0xae: {  	v44 =	vshll.u32 v3, $0x1  }
0xaf: {  	v3 =	vand.u32 $0x7, v3;
	v4 =	vand.u32 $0xFFFFFFF0, v44  }
0xb0: {  	v3 =	vor.u32 v3, v4  }
0xb1: {  	v4 =	vperm.xlane v3, v0;
	_ =	sdelay $0x1  }
0xb2: {  	v3 =	vperm.xlane v3, v2;
	v4 =	vadd.s32 v1, v4;
	_ =	sdelay $0x1  }
0xb3: {  	v3 =	vadd.s32 v1, v3;
	_ =	sdelay $0x2  }
0xb4: {  	[tilespmem:s9], [sflag:$0x4] =	stream.indirect_vreg.gather [hbm4b:s2+s3], $0x80, v4, vm0, $0xb8;
	[tilespmem:$0x18400] =	vst v63  }
0xb5: {  	s16 =	rddreg [dreg:$0x13]  }
0xb6: {  	[tilespmem:s16], [sflag:$0x4] =	stream.indirect_vreg.gather [hbm4b:s2+s3], $0x80, v3, vm0, $0xb8;
	[tilespmem:$0x18400] =	vst v63  }
0xb7: {  	v3 =	vld [tilespmem:$0x190];
	_ =	sdelay $0x4  }
0xb8: {  	v45 =	vshll.u32 v3, $0x1  }
0xb9: {  	v3 =	vand.u32 $0x7, v3;
	v4 =	vand.u32 $0xFFFFFFF0, v45  }
0xba: {  	v3 =	vor.u32 v3, v4  }
0xbb: {  	v4 =	vperm.xlane v3, v0;
	_ =	sdelay $0x1  }
0xbc: {  	v3 =	vperm.xlane v3, v2;
	v4 =	vadd.s32 v1, v4;
	_ =	sdelay $0x1  }
0xbd: {  	v3 =	vadd.s32 v1, v3;
	_ =	sdelay $0x1  }
0xbe: {  	s14 =	rddreg [dreg:$0x14]  }
0xbf: {  	[tilespmem:s14], [sflag:$0x4] =	stream.indirect_vreg.gather [hbm4b:s2+s3], $0x80, v4, vm0, $0xb8;
	[tilespmem:$0x18400] =	vst v63  }
0xc0: {  	s16 =	rddreg [dreg:$0x15]  }
0xc1: {  	[tilespmem:s16], [sflag:$0x4] =	stream.indirect_vreg.gather [hbm4b:s2+s3], $0x80, v3, vm0, $0xb8;
	[tilespmem:$0x18400] =	vst v63  }
0xc2: {  	v3 =	vld [tilespmem:$0x1A0];
	_ =	sdelay $0x4  }
0xc3: {  	v46 =	vshll.u32 v3, $0x1  }
0xc4: {  	v3 =	vand.u32 $0x7, v3;
	v4 =	vand.u32 $0xFFFFFFF0, v46  }
0xc5: {  	v3 =	vor.u32 v3, v4  }
0xc6: {  	v4 =	vperm.xlane v3, v0;
	_ =	sdelay $0x1  }
0xc7: {  	v3 =	vperm.xlane v3, v2;
	v4 =	vadd.s32 v1, v4;
	_ =	sdelay $0x1  }
0xc8: {  	v3 =	vadd.s32 v1, v3;
	_ =	sdelay $0x1  }
0xc9: {  	s14 =	rddreg [dreg:$0x16]  }
0xca: {  	[tilespmem:s14], [sflag:$0x4] =	stream.indirect_vreg.gather [hbm4b:s2+s3], $0x80, v4, vm0, $0xb8;
	[tilespmem:$0x18400] =	vst v63  }
0xcb: {  	s16 =	rddreg [dreg:$0x17]  }
0xcc: {  	[tilespmem:s16], [sflag:$0x4] =	stream.indirect_vreg.gather [hbm4b:s2+s3], $0x80, v3, vm0, $0xb8;
	[tilespmem:$0x18400] =	vst v63  }
0xcd: {  	v3 =	vld [tilespmem:$0x1B0];
	_ =	sdelay $0x4  }
0xce: {  	v47 =	vshll.u32 v3, $0x1  }
0xcf: {  	v3 =	vand.u32 $0x7, v3;
	v4 =	vand.u32 $0xFFFFFFF0, v47  }
0xd0: {  	v3 =	vor.u32 v3, v4  }
0xd1: {  	v4 =	vperm.xlane v3, v0;
	_ =	sdelay $0x1  }
0xd2: {  	v3 =	vperm.xlane v3, v2;
	v4 =	vadd.s32 v1, v4;
	_ =	sdelay $0x1  }
0xd3: {  	v3 =	vadd.s32 v1, v3;
	_ =	sdelay $0x1  }
0xd4: {  	s14 =	rddreg [dreg:$0x18]  }
0xd5: {  	[tilespmem:s14], [sflag:$0x4] =	stream.indirect_vreg.gather [hbm4b:s2+s3], $0x80, v4, vm0, $0xb8;
	[tilespmem:$0x18400] =	vst v63  }
0xd6: {  	s16 =	rddreg [dreg:$0x19]  }
0xd7: {  	[tilespmem:s16], [sflag:$0x4] =	stream.indirect_vreg.gather [hbm4b:s2+s3], $0x80, v3, vm0, $0xb8;
	[tilespmem:$0x18400] =	vst v63  }
0xd8: {  	v3 =	vld [tilespmem:$0x200];
	_ =	sdelay $0x4  }
0xd9: {  	v48 =	vshll.u32 v3, $0x1  }
0xda: {  	v3 =	vand.u32 $0x7, v3;
	v4 =	vand.u32 $0xFFFFFFF0, v48  }
0xdb: {  	v3 =	vor.u32 v3, v4  }
0xdc: {  	v4 =	vperm.xlane v3, v0;
	_ =	sdelay $0x1  }
0xdd: {  	v3 =	vperm.xlane v3, v2;
	v4 =	vadd.s32 v1, v4;
	_ =	sdelay $0x1  }
0xde: {  	v3 =	vadd.s32 v1, v3;
	_ =	sdelay $0x2  }
0xdf: {  	[tilespmem:s10], [sflag:$0x5] =	stream.indirect_vreg.gather [hbm4b:s2+s3], $0x80, v4, vm0, $0xb8;
	[tilespmem:$0x18400] =	vst v63  }
0xe0: {  	s16 =	rddreg [dreg:$0x1a]  }
0xe1: {  	[tilespmem:s16], [sflag:$0x5] =	stream.indirect_vreg.gather [hbm4b:s2+s3], $0x80, v3, vm0, $0xb8;
	[tilespmem:$0x18400] =	vst v63  }
0xe2: {  	v3 =	vld [tilespmem:$0x210];
	_ =	sdelay $0x4  }
0xe3: {  	v49 =	vshll.u32 v3, $0x1  }
0xe4: {  	v3 =	vand.u32 $0x7, v3;
	v4 =	vand.u32 $0xFFFFFFF0, v49  }
0xe5: {  	v3 =	vor.u32 v3, v4  }
0xe6: {  	v4 =	vperm.xlane v3, v0;
	_ =	sdelay $0x1  }
0xe7: {  	v3 =	vperm.xlane v3, v2;
	v4 =	vadd.s32 v1, v4;
	_ =	sdelay $0x1  }
0xe8: {  	v3 =	vadd.s32 v1, v3;
	_ =	sdelay $0x1  }
0xe9: {  	s14 =	rddreg [dreg:$0x1b]  }
0xea: {  	[tilespmem:s14], [sflag:$0x5] =	stream.indirect_vreg.gather [hbm4b:s2+s3], $0x80, v4, vm0, $0xb8;
	[tilespmem:$0x18400] =	vst v63  }
0xeb: {  	s16 =	rddreg [dreg:$0x1c]  }
0xec: {  	[tilespmem:s16], [sflag:$0x5] =	stream.indirect_vreg.gather [hbm4b:s2+s3], $0x80, v3, vm0, $0xb8;
	[tilespmem:$0x18400] =	vst v63  }
0xed: {  	v3 =	vld [tilespmem:$0x220];
	_ =	sdelay $0x4  }
0xee: {  	v50 =	vshll.u32 v3, $0x1  }
0xef: {  	v3 =	vand.u32 $0x7, v3;
	v4 =	vand.u32 $0xFFFFFFF0, v50  }
0xf0: {  	v3 =	vor.u32 v3, v4  }
0xf1: {  	v4 =	vperm.xlane v3, v0;
	_ =	sdelay $0x1  }
0xf2: {  	v3 =	vperm.xlane v3, v2;
	v4 =	vadd.s32 v1, v4;
	_ =	sdelay $0x1  }
0xf3: {  	v3 =	vadd.s32 v1, v3;
	_ =	sdelay $0x1  }
0xf4: {  	s14 =	rddreg [dreg:$0x1d]  }
0xf5: {  	[tilespmem:s14], [sflag:$0x5] =	stream.indirect_vreg.gather [hbm4b:s2+s3], $0x80, v4, vm0, $0xb8;
	[tilespmem:$0x18400] =	vst v63  }
0xf6: {  	s16 =	rddreg [dreg:$0x1e]  }
0xf7: {  	[tilespmem:s16], [sflag:$0x5] =	stream.indirect_vreg.gather [hbm4b:s2+s3], $0x80, v3, vm0, $0xb8;
	[tilespmem:$0x18400] =	vst v63  }
0xf8: {  	v3 =	vld [tilespmem:$0x230];
	_ =	sdelay $0x4  }
0xf9: {  	v51 =	vshll.u32 v3, $0x1  }
0xfa: {  	v3 =	vand.u32 $0x7, v3;
	v4 =	vand.u32 $0xFFFFFFF0, v51  }
0xfb: {  	v3 =	vor.u32 v3, v4  }
0xfc: {  	v4 =	vperm.xlane v3, v0;
	_ =	sdelay $0x1  }
0xfd: {  	v3 =	vperm.xlane v3, v2;
	v4 =	vadd.s32 v1, v4;
	_ =	sdelay $0x1  }
0xfe: {  	v3 =	vadd.s32 v1, v3  }
0xff: {  	s14 =	rddreg [dreg:$0x1f]  }
0x100: {  	s16 =	sld [smem:$0x7F6]  }
0x101: {  	[tilespmem:s14], [sflag:$0x5] =	stream.indirect_vreg.gather [hbm4b:s2+s3], $0x80, v4, vm0, $0xb8;
	[tilespmem:$0x18400] =	vst v63  }
0x102: {  	_ = 	snop  }
0x103: {  	[tilespmem:s16], [sflag:$0x5] =	stream.indirect_vreg.gather [hbm4b:s2+s3], $0x80, v3, vm0, $0xb8;
	[tilespmem:$0x18400] =	vst v63  }
0x104: {  	v3 =	vld [tilespmem:$0x280];
	_ =	sdelay $0x4  }
0x105: {  	v52 =	vshll.u32 v3, $0x1  }
0x106: {  	v3 =	vand.u32 $0x7, v3;
	v4 =	vand.u32 $0xFFFFFFF0, v52  }
0x107: {  	v3 =	vor.u32 v3, v4  }
0x108: {  	v4 =	vperm.xlane v3, v0;
	_ =	sdelay $0x1  }
0x109: {  	v3 =	vperm.xlane v3, v2;
	v4 =	vadd.s32 v1, v4;
	_ =	sdelay $0x1  }
0x10a: {  	v3 =	vadd.s32 v1, v3;
	_ =	sdelay $0x1  }
0x10b: {  	s16 =	sld [smem:$0x7F7]  }
0x10c: {  	[tilespmem:s11], [sflag:$0x6] =	stream.indirect_vreg.gather [hbm4b:s2+s3], $0x80, v4, vm0, $0xb8;
	[tilespmem:$0x18400] =	vst v63  }
0x10d: {  	_ = 	snop  }
0x10e: {  	[tilespmem:s16], [sflag:$0x6] =	stream.indirect_vreg.gather [hbm4b:s2+s3], $0x80, v3, vm0, $0xb8;
	[tilespmem:$0x18400] =	vst v63  }
0x10f: {  	v3 =	vld [tilespmem:$0x290];
	_ =	sdelay $0x4  }
0x110: {  	v53 =	vshll.u32 v3, $0x1  }
0x111: {  	v3 =	vand.u32 $0x7, v3;
	v4 =	vand.u32 $0xFFFFFFF0, v53  }
0x112: {  	v3 =	vor.u32 v3, v4  }
0x113: {  	v4 =	vperm.xlane v3, v0;
	_ =	sdelay $0x1  }
0x114: {  	v3 =	vperm.xlane v3, v2;
	v4 =	vadd.s32 v1, v4;
	_ =	sdelay $0x1  }
0x115: {  	s14 =	sld [smem:$0x7F8];
	v3 =	vadd.s32 v1, v3;
	_ =	sdelay $0x1  }
0x116: {  	s16 =	sld [smem:$0x7F9]  }
0x117: {  	[tilespmem:s14], [sflag:$0x6] =	stream.indirect_vreg.gather [hbm4b:s2+s3], $0x80, v4, vm0, $0xb8;
	[tilespmem:$0x18400] =	vst v63  }
0x118: {  	_ = 	snop  }
0x119: {  	[tilespmem:s16], [sflag:$0x6] =	stream.indirect_vreg.gather [hbm4b:s2+s3], $0x80, v3, vm0, $0xb8;
	[tilespmem:$0x18400] =	vst v63  }
0x11a: {  	v3 =	vld [tilespmem:$0x2A0];
	_ =	sdelay $0x4  }
0x11b: {  	v54 =	vshll.u32 v3, $0x1  }
0x11c: {  	v3 =	vand.u32 $0x7, v3;
	v4 =	vand.u32 $0xFFFFFFF0, v54  }
0x11d: {  	v3 =	vor.u32 v3, v4  }
0x11e: {  	v4 =	vperm.xlane v3, v0;
	_ =	sdelay $0x1  }
0x11f: {  	v3 =	vperm.xlane v3, v2;
	v4 =	vadd.s32 v1, v4;
	_ =	sdelay $0x1  }
0x120: {  	s14 =	sld [smem:$0x7FA];
	v3 =	vadd.s32 v1, v3;
	_ =	sdelay $0x1  }
0x121: {  	s16 =	sld [smem:$0x7FB]  }
0x122: {  	[tilespmem:s14], [sflag:$0x6] =	stream.indirect_vreg.gather [hbm4b:s2+s3], $0x80, v4, vm0, $0xb8;
	[tilespmem:$0x18400] =	vst v63  }
0x123: {  	_ = 	snop  }
0x124: {  	[tilespmem:s16], [sflag:$0x6] =	stream.indirect_vreg.gather [hbm4b:s2+s3], $0x80, v3, vm0, $0xb8;
	[tilespmem:$0x18400] =	vst v63  }
0x125: {  	v3 =	vld [tilespmem:$0x2B0];
	_ =	sdelay $0x4  }
0x126: {  	v55 =	vshll.u32 v3, $0x1  }
0x127: {  	v3 =	vand.u32 $0x7, v3;
	v4 =	vand.u32 $0xFFFFFFF0, v55  }
0x128: {  	v3 =	vor.u32 v3, v4  }
0x129: {  	v4 =	vperm.xlane v3, v0;
	_ =	sdelay $0x1  }
0x12a: {  	v3 =	vperm.xlane v3, v2;
	v4 =	vadd.s32 v1, v4;
	_ =	sdelay $0x1  }
0x12b: {  	s14 =	sld [smem:$0x7FC];
	v3 =	vadd.s32 v1, v3;
	_ =	sdelay $0x1  }
0x12c: {  	s16 =	sld [smem:$0x7FD]  }
0x12d: {  	[tilespmem:s14], [sflag:$0x6] =	stream.indirect_vreg.gather [hbm4b:s2+s3], $0x80, v4, vm0, $0xb8;
	[tilespmem:$0x18400] =	vst v63  }
0x12e: {  	_ = 	snop  }
0x12f: {  	[tilespmem:s16], [sflag:$0x6] =	stream.indirect_vreg.gather [hbm4b:s2+s3], $0x80, v3, vm0, $0xb8;
	[tilespmem:$0x18400] =	vst v63  }
0x130: {  	_ =	swait.ge [sflag:s28], $0x4000  }
0x131: {  	s16 =	sld [smem:$0x7F5]  }
0x132: {  	[sflag:s28] =	ssyncset.done $0x0  }
0x133: {  	[sflag:s28] =	ssyncadd.s32 $0xFFFFC000  }
0x134: {  	[hbm4b:s16+s3] =	stream.linear.scatter [tilespmem:s7], [sflag:$0x7], $0x4000, $0x38;
	[tilespmem:$0x18400] =	vst v63  }
0x135: {  	_ =	swait.ge [sflag:s29], $0x4000  }
0x136: {  	[sflag:s29] =	ssyncset.done $0x0  }
0x137: {  	[sflag:s29] =	ssyncadd.s32 $0xFFFFC000  }
0x138: {  	v3 =	vld [tilespmem:$0x300];
	_ =	sdelay $0x4  }
0x139: {  	v56 =	vshll.u32 v3, $0x1  }
0x13a: {  	v3 =	vand.u32 $0x7, v3;
	v4 =	vand.u32 $0xFFFFFFF0, v56  }
0x13b: {  	v3 =	vor.u32 v3, v4  }
0x13c: {  	v4 =	vperm.xlane v3, v0;
	_ =	sdelay $0x1  }
0x13d: {  	v3 =	vperm.xlane v3, v2;
	v4 =	vadd.s32 v1, v4;
	_ =	sdelay $0x1  }
0x13e: {  	v3 =	vadd.s32 v1, v3;
	_ =	sdelay $0x2  }
0x13f: {  	[tilespmem:s7], [sflag:$0x1] =	stream.indirect_vreg.gather [hbm4b:s2+s3], $0x80, v4, vm0, $0xb8;
	[tilespmem:$0x18400] =	vst v63  }
0x140: {  	_ = 	snop  }
0x141: {  	[tilespmem:s17], [sflag:$0x1] =	stream.indirect_vreg.gather [hbm4b:s2+s3], $0x80, v3, vm0, $0xb8;
	[tilespmem:$0x18400] =	vst v63  }
0x142: {  	v3 =	vld [tilespmem:$0x310];
	_ =	sdelay $0x4  }
0x143: {  	v57 =	vshll.u32 v3, $0x1  }
0x144: {  	v3 =	vand.u32 $0x7, v3;
	v4 =	vand.u32 $0xFFFFFFF0, v57  }
0x145: {  	v3 =	vor.u32 v3, v4  }
0x146: {  	v4 =	vperm.xlane v3, v0;
	_ =	sdelay $0x1  }
0x147: {  	v3 =	vperm.xlane v3, v2;
	v4 =	vadd.s32 v1, v4;
	_ =	sdelay $0x1  }
0x148: {  	v3 =	vadd.s32 v1, v3;
	_ =	sdelay $0x2  }
0x149: {  	[tilespmem:s18], [sflag:$0x1] =	stream.indirect_vreg.gather [hbm4b:s2+s3], $0x80, v4, vm0, $0xb8;
	[tilespmem:$0x18400] =	vst v63  }
0x14a: {  	_ = 	snop  }
0x14b: {  	[tilespmem:s19], [sflag:$0x1] =	stream.indirect_vreg.gather [hbm4b:s2+s3], $0x80, v3, vm0, $0xb8;
	[tilespmem:$0x18400] =	vst v63  }
0x14c: {  	v3 =	vld [tilespmem:$0x320];
	_ =	sdelay $0x4  }
0x14d: {  	v58 =	vshll.u32 v3, $0x1  }
0x14e: {  	v3 =	vand.u32 $0x7, v3;
	v4 =	vand.u32 $0xFFFFFFF0, v58  }
0x14f: {  	v3 =	vor.u32 v3, v4  }
0x150: {  	v4 =	vperm.xlane v3, v0;
	_ =	sdelay $0x1  }
0x151: {  	v3 =	vperm.xlane v3, v2;
	v4 =	vadd.s32 v1, v4;
	_ =	sdelay $0x1  }
0x152: {  	v3 =	vadd.s32 v1, v3;
	_ =	sdelay $0x2  }
0x153: {  	[tilespmem:s20], [sflag:$0x1] =	stream.indirect_vreg.gather [hbm4b:s2+s3], $0x80, v4, vm0, $0xb8;
	[tilespmem:$0x18400] =	vst v63  }
0x154: {  	_ = 	snop  }
0x155: {  	[tilespmem:s21], [sflag:$0x1] =	stream.indirect_vreg.gather [hbm4b:s2+s3], $0x80, v3, vm0, $0xb8;
	[tilespmem:$0x18400] =	vst v63  }
0x156: {  	v3 =	vld [tilespmem:$0x330];
	_ =	sdelay $0x4  }
0x157: {  	v59 =	vshll.u32 v3, $0x1  }
0x158: {  	v3 =	vand.u32 $0x7, v3;
	v4 =	vand.u32 $0xFFFFFFF0, v59  }
0x159: {  	v3 =	vor.u32 v3, v4  }
0x15a: {  	v4 =	vperm.xlane v3, v0;
	_ =	sdelay $0x1  }
0x15b: {  	v3 =	vperm.xlane v3, v2;
	v4 =	vadd.s32 v1, v4;
	_ =	sdelay $0x1  }
0x15c: {  	v3 =	vadd.s32 v1, v3;
	_ =	sdelay $0x2  }
0x15d: {  	[tilespmem:s22], [sflag:$0x1] =	stream.indirect_vreg.gather [hbm4b:s2+s3], $0x80, v4, vm0, $0xb8;
	[tilespmem:$0x18400] =	vst v63  }
0x15e: {  	_ = 	snop  }
0x15f: {  	[tilespmem:s23], [sflag:$0x1] =	stream.indirect_vreg.gather [hbm4b:s2+s3], $0x80, v3, vm0, $0xb8;
	[tilespmem:$0x18400] =	vst v63  }
0x160: {  	_ =	swait.ge [sflag:s30], $0x4000  }
0x161: {  	[sflag:s30] =	ssyncset.done $0x0  }
0x162: {  	s16 =	rddreg [dreg:$0x5];
	[sflag:s30] =	ssyncadd.s32 $0xFFFFC000  }
0x163: {  	[hbm4b:s16+s3] =	stream.linear.scatter [tilespmem:s15], [sflag:$0x8], $0x4000, $0x38;
	[tilespmem:$0x18400] =	vst v63  }
0x164: {  	_ =	swait.ge [sflag:s31], $0x4000  }
0x165: {  	[sflag:s31] =	ssyncset.done $0x0  }
0x166: {  	[sflag:s31] =	ssyncadd.s32 $0xFFFFC000  }
0x167: {  	v3 =	vld [tilespmem:$0x380];
	_ =	sdelay $0x4  }
0x168: {  	v60 =	vshll.u32 v3, $0x1  }
0x169: {  	v3 =	vand.u32 $0x7, v3;
	v4 =	vand.u32 $0xFFFFFFF0, v60  }
0x16a: {  	v3 =	vor.u32 v3, v4  }
0x16b: {  	v4 =	vperm.xlane v3, v0;
	_ =	sdelay $0x1  }
0x16c: {  	v3 =	vperm.xlane v3, v2;
	v4 =	vadd.s32 v1, v4;
	_ =	sdelay $0x1  }
0x16d: {  	v3 =	vadd.s32 v1, v3;
	_ =	sdelay $0x2  }
0x16e: {  	[tilespmem:s15], [sflag:$0x2] =	stream.indirect_vreg.gather [hbm4b:s2+s3], $0x80, v4, vm0, $0xb8;
	[tilespmem:$0x18400] =	vst v63  }
0x16f: {  	_ = 	snop  }
0x170: {  	[tilespmem:s24], [sflag:$0x2] =	stream.indirect_vreg.gather [hbm4b:s2+s3], $0x80, v3, vm0, $0xb8;
	[tilespmem:$0x18400] =	vst v63  }
0x171: {  	v3 =	vld [tilespmem:$0x390];
	_ =	sdelay $0x4  }
0x172: {  	v61 =	vshll.u32 v3, $0x1  }
0x173: {  	v3 =	vand.u32 $0x7, v3;
	v4 =	vand.u32 $0xFFFFFFF0, v61  }
0x174: {  	v3 =	vor.u32 v3, v4  }
0x175: {  	v4 =	vperm.xlane v3, v0;
	_ =	sdelay $0x1  }
0x176: {  	v3 =	vperm.xlane v3, v2;
	v4 =	vadd.s32 v1, v4;
	_ =	sdelay $0x1  }
0x177: {  	v3 =	vadd.s32 v1, v3;
	_ =	sdelay $0x2  }
0x178: {  	[tilespmem:s25], [sflag:$0x2] =	stream.indirect_vreg.gather [hbm4b:s2+s3], $0x80, v4, vm0, $0xb8;
	[tilespmem:$0x18400] =	vst v63  }
0x179: {  	_ = 	snop  }
0x17a: {  	[tilespmem:s26], [sflag:$0x2] =	stream.indirect_vreg.gather [hbm4b:s2+s3], $0x80, v3, vm0, $0xb8;
	[tilespmem:$0x18400] =	vst v63  }
0x17b: {  	v3 =	vld [tilespmem:$0x3A0];
	_ =	sdelay $0x4  }
0x17c: {  	v62 =	vshll.u32 v3, $0x1  }
0x17d: {  	v3 =	vand.u32 $0x7, v3;
	v4 =	vand.u32 $0xFFFFFFF0, v62  }
0x17e: {  	v3 =	vor.u32 v3, v4  }
0x17f: {  	v4 =	vperm.xlane v3, v0;
	_ =	sdelay $0x1  }
0x180: {  	v3 =	vperm.xlane v3, v2;
	v4 =	vadd.s32 v1, v4;
	_ =	sdelay $0x1  }
0x181: {  	v3 =	vadd.s32 v1, v3;
	_ =	sdelay $0x2  }
0x182: {  	[tilespmem:s4], [sflag:$0x2] =	stream.indirect_vreg.gather [hbm4b:s2+s3], $0x80, v4, vm0, $0xb8;
	[tilespmem:$0x18400] =	vst v63  }
0x183: {  	_ = 	snop  }
0x184: {  	[tilespmem:s6], [sflag:$0x2] =	stream.indirect_vreg.gather [hbm4b:s2+s3], $0x80, v3, vm0, $0xb8;
	[tilespmem:$0x18400] =	vst v63  }
0x185: {  	v3 =	vld [tilespmem:$0x3B0];
	_ =	sdelay $0x4  }
0x186: {  	v63 =	vshll.u32 v3, $0x1  }
0x187: {  	v3 =	vand.u32 $0x7, v3;
	v4 =	vand.u32 $0xFFFFFFF0, v63  }
0x188: {  	v3 =	vor.u32 v3, v4  }
0x189: {  	v4 =	vperm.xlane v3, v0;
	_ =	sdelay $0x1  }
0x18a: {  	v3 =	vperm.xlane v3, v2;
	v4 =	vadd.s32 v1, v4;
	_ =	sdelay $0x1  }
0x18b: {  	v3 =	vadd.s32 v1, v3;
	_ =	sdelay $0x2  }
0x18c: {  	[tilespmem:s1], [sflag:$0x2] =	stream.indirect_vreg.gather [hbm4b:s2+s3], $0x80, v4, vm0, $0xb8;
	[tilespmem:$0x18400] =	vst v63  }
0x18d: {  	s16 =	simm.s32 $0x3  }
0x18e: {  	[tilespmem:s0], [sflag:$0x2] =	stream.indirect_vreg.gather [hbm4b:s2+s3], $0x80, v3, vm0, $0xb8;
	[tilespmem:$0x18400] =	vst v63  }
0x18f: {  	_ =	swait.ge [sflag:s16], $0x4000  }
0x190: {  	[sflag:s16] =	ssyncset.done $0x0  }
0x191: {  	s4 =	rddreg [dreg:$0x6];
	[sflag:s16] =	ssyncadd.s32 $0xFFFFC000;
	s16 =	simm.s32 $0x4  }
0x192: {  	[hbm4b:s4+s3] =	stream.linear.scatter [tilespmem:s8], [sflag:$0x9], $0x4000, $0x38;
	[tilespmem:$0x18400] =	vst v63  }
0x193: {  	_ =	swait.ge [sflag:s16], $0x4000  }
0x194: {  	[sflag:s16] =	ssyncset.done $0x0  }
0x195: {  	s4 =	rddreg [dreg:$0x7];
	[sflag:s16] =	ssyncadd.s32 $0xFFFFC000;
	s16 =	simm.s32 $0x5  }
0x196: {  	[hbm4b:s4+s3] =	stream.linear.scatter [tilespmem:s9], [sflag:$0xA], $0x4000, $0x38;
	[tilespmem:$0x18400] =	vst v63  }
0x197: {  	_ =	swait.ge [sflag:s16], $0x4000  }
0x198: {  	[sflag:s16] =	ssyncset.done $0x0  }
0x199: {  	s14 =	simm.s32 $0x6;
	s4 =	rddreg [dreg:$0x8];
	[sflag:s16] =	ssyncadd.s32 $0xFFFFC000  }
0x19a: {  	[hbm4b:s4+s3] =	stream.linear.scatter [tilespmem:s10], [sflag:$0xB], $0x4000, $0x38;
	[tilespmem:$0x18400] =	vst v63  }
0x19b: {  	_ =	swait.ge [sflag:s14], $0x4000  }
0x19c: {  	[sflag:s14] =	ssyncset.done $0x0  }
0x19d: {  	s16 =	rddreg [dreg:$0x9];
	[sflag:s14] =	ssyncadd.s32 $0xFFFFC000  }
0x19e: {  	[hbm4b:s16+s3] =	stream.linear.scatter [tilespmem:s11], [sflag:$0xC], $0x4000, $0x38;
	[tilespmem:$0x18400] =	vst v63  }
0x19f: {  	_ =	swait.ge [sflag:s28], $0x4000  }
0x1a0: {  	[sflag:s28] =	ssyncset.done $0x0  }
0x1a1: {  	s0 =	rddreg [dreg:$0xa];
	[sflag:s28] =	ssyncadd.s32 $0xFFFFC000  }
0x1a2: {  	[hbm4b:s0+s3] =	stream.linear.scatter [tilespmem:s7], [sflag:$0x7], $0x4000, $0x38;
	[tilespmem:$0x18400] =	vst v63  }
0x1a3: {  	_ =	swait.ge [sflag:s30], $0x4000  }
0x1a4: {  	[sflag:s30] =	ssyncset.done $0x0  }
0x1a5: {  	s14 =	simm.s32 $0x9;
	s4 =	rddreg [dreg:$0xb];
	[sflag:s30] =	ssyncadd.s32 $0xFFFFC000  }
0x1a6: {  	[hbm4b:s4+s3] =	stream.linear.scatter [tilespmem:s15], [sflag:$0x8], $0x4000, $0x38;
	[tilespmem:$0x18400] =	vst v63  }
0x1a7: {  	_ =	swait.ge [sflag:s14], $0x4000  }
0x1a8: {  	[sflag:s14] =	ssyncset.done $0x0  }
0x1a9: {  	s16 =	simm.s32 $0xA;
	[sflag:s14] =	ssyncadd.s32 $0xFFFFC000  }
0x1aa: {  	_ =	swait.ge [sflag:s16], $0x4000  }
0x1ab: {  	[sflag:s16] =	ssyncset.done $0x0  }
0x1ac: {  	[sflag:s16] =	ssyncadd.s32 $0xFFFFC000  }
0x1ad: {  	_ =	swait.ge [sflag:s12], $0x4000  }
0x1ae: {  	[sflag:s12] =	ssyncset.done $0x0  }
0x1af: {  	[sflag:s12] =	ssyncadd.s32 $0xFFFFC000  }
0x1b0: {  	_ =	swait.ge [sflag:s13], $0x4000  }
0x1b1: {  	[sflag:s13] =	ssyncset.done $0x0  }
0x1b2: {  	[sflag:s13] =	ssyncadd.s32 $0xFFFFC000  }
0x1b3: {  	p0 =	sne.s32 s5, $0x1;
	_ =	swait.ge [sflag:s29], $0x4000  }
.Ltmp0:
0x1b4: {  	[sflag:s29] =	ssyncset.done $0x0;
	(pc) =	sbr.rel @p0 .LBB2_1-.Ltmp0, $4  }
0x1b5: {  	[sflag:s29] =	ssyncadd.s32 $0xFFFFC000  }
0x1b6: {  	_ =	swait.ge [sflag:s31], $0x4000  }
0x1b7: {  	[sflag:s31] =	ssyncset.done $0x0  }
0x1b8: {  	s5 =	sadd.s32 $0xFFFFFFFF, s5;
	[sflag:s31] =	ssyncadd.s32 $0xFFFFC000  }
0x1b9: {  	_ =	sfence.sel $0x180000  }
0x1ba: {  	[bflag:$0x0] =	sbarrier.arrive $0xFFFF  }
0x1bb: {  	_ =	strace $0x90000047  }
0x1bc: {  	s0 =	stileid.u32;
	[bflag:$0x2] =	sbarrier.arrive $0xFFFF  }
0x1bd: {  	p0 =	sne.s32 s0, $0x0;
	s0 =	rddreg [dreg:$0x3]  }
0x1be: {  	s0 =	sadd.s32 @!p0 $0x100000, s0  }
0x1bf: {  	[sflag:s0] =	ssyncadd.tile.s32 @!p0 $0x1;
	_ =	shalt  }
.Lfunc_end2:
_tile_overlayer_lowered:
.L_overlay_start_2:
0x1c0: {  	(tag) =	ssettag $0x2  }
0x1c1: {  	s0 =	rddreg [dreg:$0x0];
	s2 =	stileid.u32  }
0x1c2: {  	s1 =	rddreg [dreg:$0x1];
	p0 =	sne.s32 s2, $0x0  }
0x1c3: {  	s3 =	rddreg [dreg:$0x2];
	[bflag:$0x3] =	sbarrier.arrive $0xFFFF;
	s2 =	simm.s32 @!p0 $0x1C0D  }
0x1c4: {  	[timem:s3], [sflag:s2] =	dma.local @!p0 [hbm:s0], s1  }
0x1c5: {  	s0 =	simm.s32 @!p0 $0xD  }
0x1c6: {  	_ =	swait.ge @!p0 [sflag:s0], s1  }
0x1c7: {  	s1 =	ssub.s32 @!p0 $0x0, s1;
	[sflag:s0] =	ssyncset.done @!p0 $0x0  }
0x1c8: {  	[sflag:s0] =	ssyncadd.s32 @!p0 s1  }
0x1c9: {  	[bflag:$0x3] =	sbarrier.arrive $0xFFFF  }
0x1ca: {  	_ =	shalt  }

</sc_bundles>
